<compile_context>
chip_gen: v7x
topology: tpu7x:2x2x1
jax: 0.10.2.dev20260603
libtpu: 0.0.44.dev20260713+nightly
codegen_flags: <defaults>
</compile_context>

<pallas_src>
import functools

import jax
import jax.numpy as jnp
from jax import lax
from jax.experimental import pallas as pl
from jax.experimental.pallas import tpu as pltpu
from jax.experimental.pallas import tpu_sc as plsc

HEADS = 8
HID = 16
ROW1 = 144
ROW2 = 16
EB = 64
N_TILES = 32
BM = 128



def _tc1_body(x_ref, w1_ref, s1_ref, d1_ref, pack_ref, adst_ref):
    h = lax.dot_general(x_ref[...], w1_ref[...], (((1,), (1,)), ((), ())),
                        preferred_element_type=jnp.float32)
    a16 = jnp.dot(h, s1_ref[...], preferred_element_type=jnp.float32)
    adst_ref[...] = jnp.dot(h, d1_ref[...], preferred_element_type=jnp.float32)
    pack_ref[...] = jnp.concatenate([h, a16], axis=1)


def _tc2_body(p0_ref, p1_ref, b1_ref, wp_ref, wd_ref, pack2_ref, adst2_ref):
    A = p0_ref[...] + p1_ref[...]
    h = A[:, :128]
    den8 = A[:, 128:136]
    denb = jnp.concatenate(
        [lax.broadcast_in_dim(den8[:, k:k + 1], (BM, 16), (0, 1))
         for k in range(HEADS)], axis=1)
    h1 = h / denb + b1_ref[...]
    h1 = jnp.where(h1 > 0, h1, jnp.exp(h1) - 1.0)
    hp = jnp.dot(h1, wp_ref[...], preferred_element_type=jnp.float32)
    one3 = (lax.broadcasted_iota(jnp.int32, (BM, 16), 1) == 3)
    pack2_ref[...] = hp + one3.astype(jnp.float32)
    adst2_ref[...] = jnp.dot(h1, wd_ref[...], preferred_element_type=jnp.float32)


def _tc3_body(p0_ref, p1_ref, b2_ref, out_ref):
    A = p0_ref[...] + p1_ref[...]
    den = lax.broadcast_in_dim(A[:, 3:4], (BM, 16), (0, 1))
    h2 = A / den + b2_ref[...]
    aa = h2[:, 0:1]
    bb = h2[:, 1:2]
    mx = jnp.maximum(aa, bb)
    lse = mx + jnp.log(jnp.exp(aa - mx) + jnp.exp(bb - mx))
    out_ref[...] = h2 - lax.broadcast_in_dim(lse, (BM, 16), (0, 1))



def _sc1_body(nrows, epad, pack_hbm, adst_hbm, src_hbm, dst_hbm, out_hbm,
              sidx, didx, gbuf, abuf, mbuf, zbuf, acc, sem_g, sem_a):
    cid = lax.axis_index("c")
    sid = lax.axis_index("s")
    wid = cid * 16 + sid
    zero16 = jnp.zeros((16,), jnp.float32)
    lanes = lax.iota(jnp.int32, 16)
    mask8 = (lanes < HEADS).astype(jnp.float32)

    @pl.loop(0, EB)
    def _(e):
        for k in range(ROW1 // 16):
            zbuf[e, pl.ds(k * 16, 16)] = zero16
            mbuf[e, pl.ds(k * 16, 16)] = zero16

    nblk_rows = nrows // EB

    @pl.loop(0, nblk_rows)
    def _(j):
        @pl.when(lax.rem(j, 16) == sid)
        def _():
            pltpu.sync_copy(zbuf, acc.at[pl.ds(j * EB, EB)])

    plsc.subcore_barrier()

    nblk = epad // EB // N_TILES

    @pl.loop(0, nblk)
    def _(bi):
        base = (wid * nblk + bi) * EB
        pltpu.sync_copy(src_hbm.at[pl.ds(base, EB)], sidx)
        pltpu.sync_copy(dst_hbm.at[pl.ds(base, EB)], didx)
        cg = pltpu.async_copy(pack_hbm.at[sidx], gbuf, sem_g)
        ca = pltpu.async_copy(adst_hbm.at[didx], abuf, sem_a)
        cg.wait()
        ca.wait()

        @pl.loop(0, EB)
        def _(e):
            asr = gbuf[e, pl.ds(128, 16)]
            adr = abuf[e, pl.ds(0, 16)]
            al = asr + adr
            al = jnp.maximum(al, al * 0.2)
            ex = jnp.exp(al) * mask8
            mbuf[e, pl.ds(128, 16)] = ex
            for k in range(HEADS):
                sv = lax.broadcast_in_dim(ex[k], (16,), ())
                mbuf[e, pl.ds(k * 16, 16)] = gbuf[e, pl.ds(k * 16, 16)] * sv

        pltpu.sync_copy(mbuf, acc.at[didx], add=True)

    plsc.subcore_barrier()

    @pl.loop(0, nblk_rows)
    def _(j):
        @pl.when(lax.rem(j, 16) == sid)
        def _():
            pltpu.sync_copy(acc.at[pl.ds(j * EB, EB)],
                            out_hbm.at[cid, pl.ds(j * EB, EB)])


def _sc2_body(nrows, epad, pack_hbm, adst_hbm, src_hbm, dst_hbm, out_hbm,
              sidx, didx, gbuf, abuf, mbuf, zbuf, acc, sem_g, sem_a):
    cid = lax.axis_index("c")
    sid = lax.axis_index("s")
    wid = cid * 16 + sid
    zero16 = jnp.zeros((16,), jnp.float32)
    lanes = lax.iota(jnp.int32, 16)
    not2 = (lanes != 2).astype(jnp.float32)

    @pl.loop(0, EB)
    def _(e):
        zbuf[e, pl.ds(0, 16)] = zero16

    nblk_rows = nrows // EB

    @pl.loop(0, nblk_rows)
    def _(j):
        @pl.when(lax.rem(j, 16) == sid)
        def _():
            pltpu.sync_copy(zbuf, acc.at[pl.ds(j * EB, EB)])

    plsc.subcore_barrier()

    nblk = epad // EB // N_TILES

    @pl.loop(0, nblk)
    def _(bi):
        base = (wid * nblk + bi) * EB
        pltpu.sync_copy(src_hbm.at[pl.ds(base, EB)], sidx)
        pltpu.sync_copy(dst_hbm.at[pl.ds(base, EB)], didx)
        cg = pltpu.async_copy(pack_hbm.at[sidx], gbuf, sem_g)
        ca = pltpu.async_copy(adst_hbm.at[didx], abuf, sem_a)
        cg.wait()
        ca.wait()

        @pl.loop(0, EB)
        def _(e):
            v = gbuf[e, pl.ds(0, 16)]
            av = abuf[e, pl.ds(0, 16)]
            al = lax.broadcast_in_dim(v[2] + av[2], (16,), ())
            al = jnp.maximum(al, al * 0.2)
            ex = jnp.exp(al)
            mbuf[e, pl.ds(0, 16)] = ex * v * not2

        pltpu.sync_copy(mbuf, acc.at[didx], add=True)

    plsc.subcore_barrier()

    @pl.loop(0, nblk_rows)
    def _(j):
        @pl.when(lax.rem(j, 16) == sid)
        def _():
            pltpu.sync_copy(acc.at[pl.ds(j * EB, EB)],
                            out_hbm.at[cid, pl.ds(j * EB, EB)])


def _sc_layer(body, row, pack, adst, src_p, dst_p, nrows, epad):
    mesh = plsc.VectorSubcoreMesh(core_axis_name="c", subcore_axis_name="s")
    k = pl.kernel(
        functools.partial(body, nrows, epad),
        mesh=mesh,
        compiler_params=pltpu.CompilerParams(needs_layout_passes=False,
                                             use_tc_tiling_on_sc=False),
        out_type=jax.ShapeDtypeStruct((2, nrows, row), jnp.float32),
        scratch_types=[
            pltpu.VMEM((EB,), jnp.int32),
            pltpu.VMEM((EB,), jnp.int32),
            pltpu.VMEM((EB, row), jnp.float32),
            pltpu.VMEM((EB, 16), jnp.float32),
            pltpu.VMEM((EB, row), jnp.float32),
            pltpu.VMEM((EB, row), jnp.float32),
            pltpu.VMEM_SHARED((nrows, row), jnp.float32),
            pltpu.SemaphoreType.DMA,
            pltpu.SemaphoreType.DMA,
        ],
    )
    return k(pack, adst, src_p, dst_p)



def kernel(x, edge_index, W1, att_src1, att_dst1, b1, W2, att_src2, att_dst2, b2):
    n, d_in = x.shape
    e = edge_index.shape[1]
    nrows = ((n + 8) + 127) // 128 * 128
    etot = e + n
    epad = (etot + (N_TILES * EB) - 1) // (N_TILES * EB) * (N_TILES * EB)

    loop = jnp.arange(n, dtype=jnp.int32)
    src_p = jnp.concatenate(
        [edge_index[0], loop, jnp.zeros((epad - etot,), jnp.int32)])
    dst_p = jnp.concatenate(
        [edge_index[1], loop, jnp.full((epad - etot,), nrows - 1, jnp.int32)])
    x_p = jnp.pad(x, ((0, nrows - n), (0, 0)))

    eye = jnp.eye(HEADS, dtype=jnp.float32)
    S1 = (att_src1[:, :, None] * eye[:, None, :]).reshape(HEADS * HID, HEADS)
    D1 = (att_dst1[:, :, None] * eye[:, None, :]).reshape(HEADS * HID, HEADS)
    S1p = jnp.pad(S1, ((0, 0), (0, 8)))
    D1p = jnp.pad(D1, ((0, 0), (0, 8)))

    pack1, adst1 = pl.pallas_call(
        _tc1_body,
        grid=(nrows // BM,),
        in_specs=[
            pl.BlockSpec((BM, d_in), lambda i: (i, 0)),
            pl.BlockSpec((HEADS * HID, d_in), lambda i: (0, 0)),
            pl.BlockSpec((HEADS * HID, 16), lambda i: (0, 0)),
            pl.BlockSpec((HEADS * HID, 16), lambda i: (0, 0)),
        ],
        out_specs=[
            pl.BlockSpec((BM, ROW1), lambda i: (i, 0)),
            pl.BlockSpec((BM, ROW2), lambda i: (i, 0)),
        ],
        out_shape=[
            jax.ShapeDtypeStruct((nrows, ROW1), jnp.float32),
            jax.ShapeDtypeStruct((nrows, ROW2), jnp.float32),
        ],
    )(x_p, W1, S1p, D1p)

    acc1 = _sc_layer(_sc1_body, ROW1, pack1, adst1, src_p, dst_p, nrows, epad)

    v_s2 = W2.T @ att_src2[0]
    v_d2 = W2.T @ att_dst2[0]
    Wp = jnp.concatenate(
        [W2.T, v_s2[:, None], jnp.zeros((HEADS * HID, 13), jnp.float32)], axis=1)
    Wd = jnp.concatenate(
        [jnp.zeros((HEADS * HID, 2), jnp.float32), v_d2[:, None],
         jnp.zeros((HEADS * HID, 13), jnp.float32)], axis=1)
    b1r = b1.reshape(1, HEADS * HID)

    pack2, adst2 = pl.pallas_call(
        _tc2_body,
        grid=(nrows // BM,),
        in_specs=[
            pl.BlockSpec((BM, ROW1), lambda i: (i, 0)),
            pl.BlockSpec((BM, ROW1), lambda i: (i, 0)),
            pl.BlockSpec((1, HEADS * HID), lambda i: (0, 0)),
            pl.BlockSpec((HEADS * HID, 16), lambda i: (0, 0)),
            pl.BlockSpec((HEADS * HID, 16), lambda i: (0, 0)),
        ],
        out_specs=[
            pl.BlockSpec((BM, ROW2), lambda i: (i, 0)),
            pl.BlockSpec((BM, ROW2), lambda i: (i, 0)),
        ],
        out_shape=[
            jax.ShapeDtypeStruct((nrows, ROW2), jnp.float32),
            jax.ShapeDtypeStruct((nrows, ROW2), jnp.float32),
        ],
    )(acc1[0], acc1[1], b1r, Wp, Wd)

    acc2 = _sc_layer(_sc2_body, ROW2, pack2, adst2, src_p, dst_p, nrows, epad)

    b2r = jnp.pad(b2, (0, 16 - b2.shape[0])).reshape(1, 16)
    out16 = pl.pallas_call(
        _tc3_body,
        grid=(nrows // BM,),
        in_specs=[
            pl.BlockSpec((BM, ROW2), lambda i: (i, 0)),
            pl.BlockSpec((BM, ROW2), lambda i: (i, 0)),
            pl.BlockSpec((1, 16), lambda i: (0, 0)),
        ],
        out_specs=pl.BlockSpec((BM, 16), lambda i: (i, 0)),
        out_shape=jax.ShapeDtypeStruct((nrows, 16), jnp.float32),
    )(acc2[0], acc2[1], b2r)

    return out16[:n, :2]

# --- scband reference (transcript-rebuilt; emitter-appended) ---
"""Pipeline reference for scband-tgat-41832981463247 (READ-ONLY COPY).

The authoritative reference and input builder live on the scoring server;
editing this copy changes nothing except your own understanding.
"""

import jax, jax.numpy as jnp
import numpy as np

N = 10000
E = 320000
D_IN = 128
HID = 16
HEADS = 8
OUT = 2

def setup_inputs(seed: int = 0) -> dict:
    key = jax.random.key(seed)
    ks = jax.random.split(key, 12)
    x = jax.random.normal(ks[0], (N, D_IN), dtype=jnp.float32)
    edge_index = jax.random.randint(ks[1], (2, E), 0, N).astype(jnp.int32)
    W1 = jax.random.normal(ks[2], (HEADS * HID, D_IN), dtype=jnp.float32) * (1.0 / np.sqrt(D_IN))
    att_src1 = jax.random.normal(ks[3], (HEADS, HID), dtype=jnp.float32) * 0.1
    att_dst1 = jax.random.normal(ks[4], (HEADS, HID), dtype=jnp.float32) * 0.1
    b1 = jnp.zeros((HEADS * HID,), dtype=jnp.float32)
    W2 = jax.random.normal(ks[5], (1 * OUT, HEADS * HID), dtype=jnp.float32) * (1.0 / np.sqrt(HEADS * HID))
    att_src2 = jax.random.normal(ks[6], (1, OUT), dtype=jnp.float32) * 0.1
    att_dst2 = jax.random.normal(ks[7], (1, OUT), dtype=jnp.float32) * 0.1
    b2 = jnp.zeros((OUT,), dtype=jnp.float32)
    return {"x": x, "edge_index": edge_index, "W1": W1, "att_src1": att_src1, "att_dst1": att_dst1, "b1": b1, "W2": W2, "att_src2": att_src2, "att_dst2": att_dst2, "b2": b2}

def _gat_conv(x, src, dst, W, att_src, att_dst, bias, heads, out_ch, concat, n):
    h = (x @ W.T).reshape(n, heads, out_ch)
    a_src = (h * att_src[None]).sum(-1)
    a_dst = (h * att_dst[None]).sum(-1)
    alpha = a_src[src] + a_dst[dst]
    alpha = jax.nn.leaky_relu(alpha, negative_slope=0.2)
    amax = jax.ops.segment_max(alpha, dst, num_segments=n)
    amax = jnp.where(jnp.isfinite(amax), amax, 0.0)
    ex = jnp.exp(alpha - amax[dst])
    denom = jax.ops.segment_sum(ex, dst, num_segments=n)
    attw = ex / (denom[dst] + 1e-16)
    msg = h[src] * attw[..., None]
    out = jax.ops.segment_sum(msg, dst, num_segments=n)
    if concat:
        out = out.reshape(n, heads * out_ch)
    else:
        out = out.mean(axis=1)
    return out + bias

def reference(x, edge_index, W1, att_src1, att_dst1, b1, W2, att_src2, att_dst2, b2):
    n = x.shape[0]
    loop = jnp.arange(n, dtype=edge_index.dtype)
    src = jnp.concatenate([edge_index[0], loop])
    dst = jnp.concatenate([edge_index[1], loop])
    h1 = _gat_conv(x, src, dst, W1, att_src1, att_dst1, b1, HEADS, HID, True, n)
    h1 = jax.nn.elu(h1)
    h2 = _gat_conv(h1, src, dst, W2, att_src2, att_dst2, b2, 1, OUT, False, n)
    return jax.nn.log_softmax(h2, axis=1)

if __name__ == "__main__":
    import jax
    _d = setup_inputs()
    print(jax.jit(kernel)(*tuple(_d.values())))

</pallas_src>

<mosaic_0001>
#map = affine_map<(d0, d1) -> (0, 0)>
#map1 = affine_map<(d0, d1) -> (0)>
#map2 = affine_map<(d0, d1) -> (0, 0, 0)>
module attributes {stable_mosaic.version = 14 : i64} {
  func.func @_sc1_body(%arg0: i32, %arg1: i32, %arg2: memref<10112x144xf32, #tpu.memory_space<hbm>>, %arg3: memref<10112x16xf32, #tpu.memory_space<hbm>>, %arg4: memref<331776xi32, #tpu.memory_space<hbm>>, %arg5: memref<331776xi32, #tpu.memory_space<hbm>>, %arg6: memref<2x10112x144xf32, #tpu.memory_space<hbm>>, %arg7: memref<64xi32, #tpu.memory_space<vmem>>, %arg8: memref<64xi32, #tpu.memory_space<vmem>>, %arg9: memref<64x144xf32, #tpu.memory_space<vmem>>, %arg10: memref<64x16xf32, #tpu.memory_space<vmem>>, %arg11: memref<64x144xf32, #tpu.memory_space<vmem>>, %arg12: memref<64x144xf32, #tpu.memory_space<vmem>>, %arg13: memref<10112x144xf32, #tpu.memory_space<vmem_shared>>, %arg14: memref<!tpu.dma_semaphore, #tpu.memory_space<semaphore_mem>>, %arg15: memref<!tpu.dma_semaphore, #tpu.memory_space<semaphore_mem>>) attributes {dimension_semantics = [#tpu.dimension_semantics<core_parallel>, #tpu.dimension_semantics<subcore_parallel>], iteration_bounds = array<i64: 2, 16>, scalar_prefetch = 0 : i64, scratch_operands = 9 : i64, tpu.core_type = #tpu.core_type<sc_vector_subcore>, window_params = [{transform_indices = #map}, {transform_indices = #map}, {transform_indices = #map1}, {transform_indices = #map1}, {transform_indices = #map2}]} {
    %mul3A = arith.constant 16 : i32
    %mul3A_0 = arith.muli %arg0, %mul3A : i32
    %add3A = arith.addi %mul3A_0, %arg1 : i32
    %broadcast_in_dim3A = arith.constant 0.000000e+00 : f32
    %broadcast_in_dim3A_1 = vector.broadcast %broadcast_in_dim3A : f32 to vector<16xf32>
    %iota3A = tpu.iota {dimensions = array<i32: 0>} : vector<16xi32>
    %lt3A = arith.constant 8 : i32
    %lt3A_2 = vector.broadcast %lt3A : i32 to vector<16xi32>
    %lt3A_3 = arith.cmpi slt, %iota3A, %lt3A_2 : vector<16xi32>
    %convert_element_type3A = arith.extui %lt3A_3 : vector<16xi1> to vector<16xi32>
    %convert_element_type3A_4 = arith.sitofp %convert_element_type3A : vector<16xi32> to vector<16xf32>
    %scan3A = arith.constant 0 : i32
    %scan3A_5 = arith.constant 64 : i32
    %scan3A_6 = arith.addi %scan3A, %scan3A_5 : i32
    %scan3A_7 = arith.constant 1 : i32
    scf.for %scan3A_25 = %scan3A to %scan3A_6 step %scan3A_7  : i32 {
      %mul3A_26 = arith.constant 1 : i32
      %mul3A_27 = arith.muli %scan3A_25, %mul3A_26 : i32
      %add3A_28 = arith.constant 0 : i32
      %add3A_29 = arith.addi %add3A_28, %mul3A_27 : i32
      %swap3A = arith.index_cast %add3A_29 : i32 to index
      %swap3A_30 = arith.constant 0 : index
      %swap3A_31 = tpu.vector_load %arg12[%swap3A, %swap3A_30] {strides = array<i32>} : memref<64x144xf32, #tpu.memory_space<vmem>>, vector<16xf32>,
      tpu.vector_store %arg12[%swap3A, %swap3A_30], %broadcast_in_dim3A_1 {strides = array<i32>} : memref<64x144xf32, #tpu.memory_space<vmem>>, vector<16xf32>,
      %swap3A_32 = arith.index_cast %add3A_29 : i32 to index
      %swap3A_33 = arith.constant 0 : index
      %swap3A_34 = tpu.vector_load %arg11[%swap3A_32, %swap3A_33] {strides = array<i32>} : memref<64x144xf32, #tpu.memory_space<vmem>>, vector<16xf32>,
      tpu.vector_store %arg11[%swap3A_32, %swap3A_33], %broadcast_in_dim3A_1 {strides = array<i32>} : memref<64x144xf32, #tpu.memory_space<vmem>>, vector<16xf32>,
      %swap3A_35 = arith.index_cast %add3A_29 : i32 to index
      %swap3A_36 = arith.constant 16 : index
      %swap3A_37 = tpu.vector_load %arg12[%swap3A_35, %swap3A_36] {strides = array<i32>} : memref<64x144xf32, #tpu.memory_space<vmem>>, vector<16xf32>,
      tpu.vector_store %arg12[%swap3A_35, %swap3A_36], %broadcast_in_dim3A_1 {strides = array<i32>} : memref<64x144xf32, #tpu.memory_space<vmem>>, vector<16xf32>,
      %swap3A_38 = arith.index_cast %add3A_29 : i32 to index
      %swap3A_39 = arith.constant 16 : index
      %swap3A_40 = tpu.vector_load %arg11[%swap3A_38, %swap3A_39] {strides = array<i32>} : memref<64x144xf32, #tpu.memory_space<vmem>>, vector<16xf32>,
      tpu.vector_store %arg11[%swap3A_38, %swap3A_39], %broadcast_in_dim3A_1 {strides = array<i32>} : memref<64x144xf32, #tpu.memory_space<vmem>>, vector<16xf32>,
      %swap3A_41 = arith.index_cast %add3A_29 : i32 to index
      %swap3A_42 = arith.constant 32 : index
      %swap3A_43 = tpu.vector_load %arg12[%swap3A_41, %swap3A_42] {strides = array<i32>} : memref<64x144xf32, #tpu.memory_space<vmem>>, vector<16xf32>,
      tpu.vector_store %arg12[%swap3A_41, %swap3A_42], %broadcast_in_dim3A_1 {strides = array<i32>} : memref<64x144xf32, #tpu.memory_space<vmem>>, vector<16xf32>,
      %swap3A_44 = arith.index_cast %add3A_29 : i32 to index
      %swap3A_45 = arith.constant 32 : index
      %swap3A_46 = tpu.vector_load %arg11[%swap3A_44, %swap3A_45] {strides = array<i32>} : memref<64x144xf32, #tpu.memory_space<vmem>>, vector<16xf32>,
      tpu.vector_store %arg11[%swap3A_44, %swap3A_45], %broadcast_in_dim3A_1 {strides = array<i32>} : memref<64x144xf32, #tpu.memory_space<vmem>>, vector<16xf32>,
      %swap3A_47 = arith.index_cast %add3A_29 : i32 to index
      %swap3A_48 = arith.constant 48 : index
      %swap3A_49 = tpu.vector_load %arg12[%swap3A_47, %swap3A_48] {strides = array<i32>} : memref<64x144xf32, #tpu.memory_space<vmem>>, vector<16xf32>,
      tpu.vector_store %arg12[%swap3A_47, %swap3A_48], %broadcast_in_dim3A_1 {strides = array<i32>} : memref<64x144xf32, #tpu.memory_space<vmem>>, vector<16xf32>,
      %swap3A_50 = arith.index_cast %add3A_29 : i32 to index
      %swap3A_51 = arith.constant 48 : index
      %swap3A_52 = tpu.vector_load %arg11[%swap3A_50, %swap3A_51] {strides = array<i32>} : memref<64x144xf32, #tpu.memory_space<vmem>>, vector<16xf32>,
      tpu.vector_store %arg11[%swap3A_50, %swap3A_51], %broadcast_in_dim3A_1 {strides = array<i32>} : memref<64x144xf32, #tpu.memory_space<vmem>>, vector<16xf32>,
      %swap3A_53 = arith.index_cast %add3A_29 : i32 to index
      %swap3A_54 = arith.constant 64 : index
      %swap3A_55 = tpu.vector_load %arg12[%swap3A_53, %swap3A_54] {strides = array<i32>} : memref<64x144xf32, #tpu.memory_space<vmem>>, vector<16xf32>,
      tpu.vector_store %arg12[%swap3A_53, %swap3A_54], %broadcast_in_dim3A_1 {strides = array<i32>} : memref<64x144xf32, #tpu.memory_space<vmem>>, vector<16xf32>,
      %swap3A_56 = arith.index_cast %add3A_29 : i32 to index
      %swap3A_57 = arith.constant 64 : index
      %swap3A_58 = tpu.vector_load %arg11[%swap3A_56, %swap3A_57] {strides = array<i32>} : memref<64x144xf32, #tpu.memory_space<vmem>>, vector<16xf32>,
      tpu.vector_store %arg11[%swap3A_56, %swap3A_57], %broadcast_in_dim3A_1 {strides = array<i32>} : memref<64x144xf32, #tpu.memory_space<vmem>>, vector<16xf32>,
      %swap3A_59 = arith.index_cast %add3A_29 : i32 to index
      %swap3A_60 = arith.constant 80 : index
      %swap3A_61 = tpu.vector_load %arg12[%swap3A_59, %swap3A_60] {strides = array<i32>} : memref<64x144xf32, #tpu.memory_space<vmem>>, vector<16xf32>,
      tpu.vector_store %arg12[%swap3A_59, %swap3A_60], %broadcast_in_dim3A_1 {strides = array<i32>} : memref<64x144xf32, #tpu.memory_space<vmem>>, vector<16xf32>,
      %swap3A_62 = arith.index_cast %add3A_29 : i32 to index
      %swap3A_63 = arith.constant 80 : index
      %swap3A_64 = tpu.vector_load %arg11[%swap3A_62, %swap3A_63] {strides = array<i32>} : memref<64x144xf32, #tpu.memory_space<vmem>>, vector<16xf32>,
      tpu.vector_store %arg11[%swap3A_62, %swap3A_63], %broadcast_in_dim3A_1 {strides = array<i32>} : memref<64x144xf32, #tpu.memory_space<vmem>>, vector<16xf32>,
      %swap3A_65 = arith.index_cast %add3A_29 : i32 to index
      %swap3A_66 = arith.constant 96 : index
      %swap3A_67 = tpu.vector_load %arg12[%swap3A_65, %swap3A_66] {strides = array<i32>} : memref<64x144xf32, #tpu.memory_space<vmem>>, vector<16xf32>,
      tpu.vector_store %arg12[%swap3A_65, %swap3A_66], %broadcast_in_dim3A_1 {strides = array<i32>} : memref<64x144xf32, #tpu.memory_space<vmem>>, vector<16xf32>,
      %swap3A_68 = arith.index_cast %add3A_29 : i32 to index
      %swap3A_69 = arith.constant 96 : index
      %swap3A_70 = tpu.vector_load %arg11[%swap3A_68, %swap3A_69] {strides = array<i32>} : memref<64x144xf32, #tpu.memory_space<vmem>>, vector<16xf32>,
      tpu.vector_store %arg11[%swap3A_68, %swap3A_69], %broadcast_in_dim3A_1 {strides = array<i32>} : memref<64x144xf32, #tpu.memory_space<vmem>>, vector<16xf32>,
      %swap3A_71 = arith.index_cast %add3A_29 : i32 to index
      %swap3A_72 = arith.constant 112 : index
      %swap3A_73 = tpu.vector_load %arg12[%swap3A_71, %swap3A_72] {strides = array<i32>} : memref<64x144xf32, #tpu.memory_space<vmem>>, vector<16xf32>,
      tpu.vector_store %arg12[%swap3A_71, %swap3A_72], %broadcast_in_dim3A_1 {strides = array<i32>} : memref<64x144xf32, #tpu.memory_space<vmem>>, vector<16xf32>,
      %swap3A_74 = arith.index_cast %add3A_29 : i32 to index
      %swap3A_75 = arith.constant 112 : index
      %swap3A_76 = tpu.vector_load %arg11[%swap3A_74, %swap3A_75] {strides = array<i32>} : memref<64x144xf32, #tpu.memory_space<vmem>>, vector<16xf32>,
      tpu.vector_store %arg11[%swap3A_74, %swap3A_75], %broadcast_in_dim3A_1 {strides = array<i32>} : memref<64x144xf32, #tpu.memory_space<vmem>>, vector<16xf32>,
      %swap3A_77 = arith.index_cast %add3A_29 : i32 to index
      %swap3A_78 = arith.constant 128 : index
      %swap3A_79 = tpu.vector_load %arg12[%swap3A_77, %swap3A_78] {strides = array<i32>} : memref<64x144xf32, #tpu.memory_space<vmem>>, vector<16xf32>,
      tpu.vector_store %arg12[%swap3A_77, %swap3A_78], %broadcast_in_dim3A_1 {strides = array<i32>} : memref<64x144xf32, #tpu.memory_space<vmem>>, vector<16xf32>,
      %swap3A_80 = arith.index_cast %add3A_29 : i32 to index
      %swap3A_81 = arith.constant 128 : index
      %swap3A_82 = tpu.vector_load %arg11[%swap3A_80, %swap3A_81] {strides = array<i32>} : memref<64x144xf32, #tpu.memory_space<vmem>>, vector<16xf32>,
      tpu.vector_store %arg11[%swap3A_80, %swap3A_81], %broadcast_in_dim3A_1 {strides = array<i32>} : memref<64x144xf32, #tpu.memory_space<vmem>>, vector<16xf32>,
    }
    %scan3A_8 = arith.constant 64 : i32
    %scan3A_9 = arith.constant 0 : i32
    %scan3A_10 = arith.constant 158 : i32
    %scan3A_11 = arith.addi %scan3A_9, %scan3A_10 : i32
    %scan3A_12 = arith.constant 1 : i32
    scf.for %scan3A_25 = %scan3A_9 to %scan3A_11 step %scan3A_12  : i32 {
      %mul3A_26 = arith.constant 1 : i32
      %mul3A_27 = arith.muli %scan3A_25, %mul3A_26 : i32
      %add3A_28 = arith.constant 0 : i32
      %add3A_29 = arith.addi %add3A_28, %mul3A_27 : i32
      %rem3A = arith.constant 16 : i32
      %rem3A_30 = arith.remsi %add3A_29, %rem3A : i32
      %eq3A = arith.cmpi eq, %rem3A_30, %arg1 : i32
      %convert_element_type3A_31 = arith.extui %eq3A : i1 to i32
      %cond3A = arith.constant 0 : i32
      %cond3A_32 = arith.cmpi ne, %convert_element_type3A_31, %cond3A : i32
      scf.if %cond3A_32 {
        %mul3A_33 = arith.constant 64 : i32
        %mul3A_34 = arith.muli %add3A_29, %mul3A_33 : i32
        "tpu.region"() ({
          %run_scoped3A = tpu.sem_alloc : memref<!tpu.dma_semaphore, #tpu.memory_space<semaphore_mem>>
          %dma_start3A = arith.constant 0 : i32
          %dma_start3A_35 = tpu.memref_slice %arg13[%mul3A_34, %dma_start3A] : memref<10112x144xf32, #tpu.memory_space<vmem_shared>> -> memref<64x144xf32, #tpu.memory_space<vmem_shared>>
          %dma_start3A_36 = arith.constant 0 : i32
          %dma_start3A_37 = tpu.memref_slice %arg13[%mul3A_34, %dma_start3A_36] : memref<10112x144xf32, #tpu.memory_space<vmem_shared>> -> memref<64x144xf32, #tpu.memory_space<vmem_shared>>
          tpu.enqueue_dma source(%arg12 : memref<64x144xf32, #tpu.memory_space<vmem>>) target(%dma_start3A_37 : memref<64x144xf32, #tpu.memory_space<vmem_shared>>) target_semaphore(%run_scoped3A : memref<!tpu.dma_semaphore, #tpu.memory_space<semaphore_mem>>)
          %dma_wait3A = arith.constant 0 : i32
          %dma_wait3A_38 = tpu.memref_slice %arg13[%mul3A_34, %dma_wait3A] : memref<10112x144xf32, #tpu.memory_space<vmem_shared>> -> memref<64x144xf32, #tpu.memory_space<vmem_shared>>
          %dma_wait3A_39 = arith.constant 0 : i32
          %dma_wait3A_40 = tpu.memref_slice %arg13[%mul3A_34, %dma_wait3A_39] : memref<10112x144xf32, #tpu.memory_space<vmem_shared>> -> memref<64x144xf32, #tpu.memory_space<vmem_shared>>
          tpu.wait_dma2 semaphore(%run_scoped3A : memref<!tpu.dma_semaphore, #tpu.memory_space<semaphore_mem>>) src(%arg12 : memref<64x144xf32, #tpu.memory_space<vmem>>) dst(%dma_wait3A_40 : memref<64x144xf32, #tpu.memory_space<vmem_shared>>)
          tpu.yield
        }) : () -> ()
      } else {
      }
    }
    %scan3A_13 = arith.constant 158 : i32
    %barrier3A = arith.constant 0 : index
    tpu.barrier barrier_id(%barrier3A)
    %scan3A_14 = arith.constant 0 : i32
    %scan3A_15 = arith.constant 162 : i32
    %scan3A_16 = arith.addi %scan3A_14, %scan3A_15 : i32
    %scan3A_17 = arith.constant 1 : i32
    scf.for %scan3A_25 = %scan3A_14 to %scan3A_16 step %scan3A_17  : i32 {
      %mul3A_26 = arith.constant 1 : i32
      %mul3A_27 = arith.muli %scan3A_25, %mul3A_26 : i32
      %add3A_28 = arith.constant 0 : i32
      %add3A_29 = arith.addi %add3A_28, %mul3A_27 : i32
      %mul3A_30 = arith.constant 162 : i32
      %mul3A_31 = arith.muli %add3A, %mul3A_30 : i32
      %add3A_32 = arith.addi %mul3A_31, %add3A_29 : i32
      %mul3A_33 = arith.constant 64 : i32
      %mul3A_34 = arith.muli %add3A_32, %mul3A_33 : i32
      "tpu.region"() ({
        %run_scoped3A = tpu.sem_alloc : memref<!tpu.dma_semaphore, #tpu.memory_space<semaphore_mem>>
        %dma_start3A_50 = tpu.memref_slice %arg4[%mul3A_34] : memref<331776xi32, #tpu.memory_space<hbm>> -> memref<64xi32, #tpu.memory_space<hbm>>
        %dma_start3A_51 = tpu.memref_slice %arg4[%mul3A_34] : memref<331776xi32, #tpu.memory_space<hbm>> -> memref<64xi32, #tpu.memory_space<hbm>>
        tpu.enqueue_dma source(%dma_start3A_51 : memref<64xi32, #tpu.memory_space<hbm>>) target(%arg7 : memref<64xi32, #tpu.memory_space<vmem>>) target_semaphore(%run_scoped3A : memref<!tpu.dma_semaphore, #tpu.memory_space<semaphore_mem>>)
        %dma_wait3A_52 = tpu.memref_slice %arg4[%mul3A_34] : memref<331776xi32, #tpu.memory_space<hbm>> -> memref<64xi32, #tpu.memory_space<hbm>>
        %dma_wait3A_53 = tpu.memref_slice %arg4[%mul3A_34] : memref<331776xi32, #tpu.memory_space<hbm>> -> memref<64xi32, #tpu.memory_space<hbm>>
        tpu.wait_dma2 semaphore(%run_scoped3A : memref<!tpu.dma_semaphore, #tpu.memory_space<semaphore_mem>>) src(%dma_wait3A_53 : memref<64xi32, #tpu.memory_space<hbm>>) dst(%arg7 : memref<64xi32, #tpu.memory_space<vmem>>)
        tpu.yield
      }) : () -> ()
      "tpu.region"() ({
        %run_scoped3A = tpu.sem_alloc : memref<!tpu.dma_semaphore, #tpu.memory_space<semaphore_mem>>
        %dma_start3A_50 = tpu.memref_slice %arg5[%mul3A_34] : memref<331776xi32, #tpu.memory_space<hbm>> -> memref<64xi32, #tpu.memory_space<hbm>>
        %dma_start3A_51 = tpu.memref_slice %arg5[%mul3A_34] : memref<331776xi32, #tpu.memory_space<hbm>> -> memref<64xi32, #tpu.memory_space<hbm>>
        tpu.enqueue_dma source(%dma_start3A_51 : memref<64xi32, #tpu.memory_space<hbm>>) target(%arg8 : memref<64xi32, #tpu.memory_space<vmem>>) target_semaphore(%run_scoped3A : memref<!tpu.dma_semaphore, #tpu.memory_space<semaphore_mem>>)
        %dma_wait3A_52 = tpu.memref_slice %arg5[%mul3A_34] : memref<331776xi32, #tpu.memory_space<hbm>> -> memref<64xi32, #tpu.memory_space<hbm>>
        %dma_wait3A_53 = tpu.memref_slice %arg5[%mul3A_34] : memref<331776xi32, #tpu.memory_space<hbm>> -> memref<64xi32, #tpu.memory_space<hbm>>
        tpu.wait_dma2 semaphore(%run_scoped3A : memref<!tpu.dma_semaphore, #tpu.memory_space<semaphore_mem>>) src(%dma_wait3A_53 : memref<64xi32, #tpu.memory_space<hbm>>) dst(%arg8 : memref<64xi32, #tpu.memory_space<vmem>>)
        tpu.yield
      }) : () -> ()
      %dma_start3A = arith.constant 0 : i32
      %dma_start3A_35 = arith.constant 0 : i32
      %dma_start3A_36 = tpu.memref_slice %arg2[%dma_start3A, %dma_start3A_35] : memref<10112x144xf32, #tpu.memory_space<hbm>> -> memref<10112x144xf32, #tpu.memory_space<hbm>>
      tpu.enqueue_indirect_dma source(%dma_start3A_36 : memref<10112x144xf32, #tpu.memory_space<hbm>>) target(%arg9 : memref<64x144xf32, #tpu.memory_space<vmem>>) offsets(%arg7 : memref<64xi32, #tpu.memory_space<vmem>>) semaphore(%arg14 : memref<!tpu.dma_semaphore, #tpu.memory_space<semaphore_mem>>)
      %dma_start3A_37 = arith.constant 0 : i32
      %dma_start3A_38 = arith.constant 0 : i32
      %dma_start3A_39 = tpu.memref_slice %arg3[%dma_start3A_37, %dma_start3A_38] : memref<10112x16xf32, #tpu.memory_space<hbm>> -> memref<10112x16xf32, #tpu.memory_space<hbm>>
      tpu.enqueue_indirect_dma source(%dma_start3A_39 : memref<10112x16xf32, #tpu.memory_space<hbm>>) target(%arg10 : memref<64x16xf32, #tpu.memory_space<vmem>>) offsets(%arg8 : memref<64xi32, #tpu.memory_space<vmem>>) semaphore(%arg15 : memref<!tpu.dma_semaphore, #tpu.memory_space<semaphore_mem>>)
      %dma_wait3A = arith.constant 0 : i32
      %dma_wait3A_40 = arith.constant 0 : i32
      %dma_wait3A_41 = tpu.memref_slice %arg2[%dma_wait3A, %dma_wait3A_40] : memref<10112x144xf32, #tpu.memory_space<hbm>> -> memref<10112x144xf32, #tpu.memory_space<hbm>>
      tpu.wait_indirect_dma semaphore(%arg14 : memref<!tpu.dma_semaphore, #tpu.memory_space<semaphore_mem>>) src(%dma_wait3A_41 : memref<10112x144xf32, #tpu.memory_space<hbm>>) dst(%arg9 : memref<64x144xf32, #tpu.memory_space<vmem>>)
      %dma_wait3A_42 = arith.constant 0 : i32
      %dma_wait3A_43 = arith.constant 0 : i32
      %dma_wait3A_44 = tpu.memref_slice %arg3[%dma_wait3A_42, %dma_wait3A_43] : memref<10112x16xf32, #tpu.memory_space<hbm>> -> memref<10112x16xf32, #tpu.memory_space<hbm>>
      tpu.wait_indirect_dma semaphore(%arg15 : memref<!tpu.dma_semaphore, #tpu.memory_space<semaphore_mem>>) src(%dma_wait3A_44 : memref<10112x16xf32, #tpu.memory_space<hbm>>) dst(%arg10 : memref<64x16xf32, #tpu.memory_space<vmem>>)
      %scan3A_45 = arith.constant 0 : i32
      %scan3A_46 = arith.constant 64 : i32
      %scan3A_47 = arith.addi %scan3A_45, %scan3A_46 : i32
      %scan3A_48 = arith.constant 1 : i32
      scf.for %scan3A_50 = %scan3A_45 to %scan3A_47 step %scan3A_48  : i32 {
        %mul3A_51 = arith.constant 1 : i32
        %mul3A_52 = arith.muli %scan3A_50, %mul3A_51 : i32
        %add3A_53 = arith.constant 0 : i32
        %add3A_54 = arith.addi %add3A_53, %mul3A_52 : i32
        %get3A = arith.index_cast %add3A_54 : i32 to index
        %get3A_55 = arith.constant 128 : index
        %get3A_56 = tpu.vector_load %arg9[%get3A, %get3A_55] {strides = array<i32>} : memref<64x144xf32, #tpu.memory_space<vmem>>, vector<16xf32>,
        %get3A_57 = arith.index_cast %add3A_54 : i32 to index
        %get3A_58 = arith.constant 0 : index
        %get3A_59 = tpu.vector_load %arg10[%get3A_57, %get3A_58] {strides = array<i32>} : memref<64x16xf32, #tpu.memory_space<vmem>>, vector<16xf32>,
        %add3A_60 = arith.addf %get3A_56, %get3A_59 : vector<16xf32>
        %mul3A_61 = arith.constant 2.000000e-01 : f32
        %mul3A_62 = vector.broadcast %mul3A_61 : f32 to vector<16xf32>
        %mul3A_63 = arith.mulf %add3A_60, %mul3A_62 : vector<16xf32>
        %max3A = arith.maximumf %add3A_60, %mul3A_63 : vector<16xf32>
        %exp3A = math.exp %max3A : vector<16xf32>
        %mul3A_64 = arith.mulf %exp3A, %convert_element_type3A_4 : vector<16xf32>
        %swap3A = arith.index_cast %add3A_54 : i32 to index
        %swap3A_65 = arith.constant 128 : index
        %swap3A_66 = tpu.vector_load %arg11[%swap3A, %swap3A_65] {strides = array<i32>} : memref<64x144xf32, #tpu.memory_space<vmem>>, vector<16xf32>,
        tpu.vector_store %arg11[%swap3A, %swap3A_65], %mul3A_64 {strides = array<i32>} : memref<64x144xf32, #tpu.memory_space<vmem>>, vector<16xf32>,
        %slice3A = vector.extract_strided_slice %mul3A_64 {offsets = [0], sizes = [1], strides = [1]} : vector<16xf32> to vector<1xf32>
        %squeeze3A = vector.extract %slice3A[0] : f32 from vector<1xf32>
        %broadcast_in_dim3A_67 = vector.broadcast %squeeze3A : f32 to vector<16xf32>
        %get3A_68 = arith.index_cast %add3A_54 : i32 to index
        %get3A_69 = arith.constant 0 : index
        %get3A_70 = tpu.vector_load %arg9[%get3A_68, %get3A_69] {strides = array<i32>} : memref<64x144xf32, #tpu.memory_space<vmem>>, vector<16xf32>,
        %mul3A_71 = arith.mulf %get3A_70, %broadcast_in_dim3A_67 : vector<16xf32>
        %swap3A_72 = arith.index_cast %add3A_54 : i32 to index
        %swap3A_73 = arith.constant 0 : index
        %swap3A_74 = tpu.vector_load %arg11[%swap3A_72, %swap3A_73] {strides = array<i32>} : memref<64x144xf32, #tpu.memory_space<vmem>>, vector<16xf32>,
        tpu.vector_store %arg11[%swap3A_72, %swap3A_73], %mul3A_71 {strides = array<i32>} : memref<64x144xf32, #tpu.memory_space<vmem>>, vector<16xf32>,
        %slice3A_75 = vector.extract_strided_slice %mul3A_64 {offsets = [1], sizes = [1], strides = [1]} : vector<16xf32> to vector<1xf32>
        %squeeze3A_76 = vector.extract %slice3A_75[0] : f32 from vector<1xf32>
        %broadcast_in_dim3A_77 = vector.broadcast %squeeze3A_76 : f32 to vector<16xf32>
        %get3A_78 = arith.index_cast %add3A_54 : i32 to index
        %get3A_79 = arith.constant 16 : index
        %get3A_80 = tpu.vector_load %arg9[%get3A_78, %get3A_79] {strides = array<i32>} : memref<64x144xf32, #tpu.memory_space<vmem>>, vector<16xf32>,
        %mul3A_81 = arith.mulf %get3A_80, %broadcast_in_dim3A_77 : vector<16xf32>
        %swap3A_82 = arith.index_cast %add3A_54 : i32 to index
        %swap3A_83 = arith.constant 16 : index
        %swap3A_84 = tpu.vector_load %arg11[%swap3A_82, %swap3A_83] {strides = array<i32>} : memref<64x144xf32, #tpu.memory_space<vmem>>, vector<16xf32>,
        tpu.vector_store %arg11[%swap3A_82, %swap3A_83], %mul3A_81 {strides = array<i32>} : memref<64x144xf32, #tpu.memory_space<vmem>>, vector<16xf32>,
        %slice3A_85 = vector.extract_strided_slice %mul3A_64 {offsets = [2], sizes = [1], strides = [1]} : vector<16xf32> to vector<1xf32>
        %squeeze3A_86 = vector.extract %slice3A_85[0] : f32 from vector<1xf32>
        %broadcast_in_dim3A_87 = vector.broadcast %squeeze3A_86 : f32 to vector<16xf32>
        %get3A_88 = arith.index_cast %add3A_54 : i32 to index
        %get3A_89 = arith.constant 32 : index
        %get3A_90 = tpu.vector_load %arg9[%get3A_88, %get3A_89] {strides = array<i32>} : memref<64x144xf32, #tpu.memory_space<vmem>>, vector<16xf32>,
        %mul3A_91 = arith.mulf %get3A_90, %broadcast_in_dim3A_87 : vector<16xf32>
        %swap3A_92 = arith.index_cast %add3A_54 : i32 to index
        %swap3A_93 = arith.constant 32 : index
        %swap3A_94 = tpu.vector_load %arg11[%swap3A_92, %swap3A_93] {strides = array<i32>} : memref<64x144xf32, #tpu.memory_space<vmem>>, vector<16xf32>,
        tpu.vector_store %arg11[%swap3A_92, %swap3A_93], %mul3A_91 {strides = array<i32>} : memref<64x144xf32, #tpu.memory_space<vmem>>, vector<16xf32>,
        %slice3A_95 = vector.extract_strided_slice %mul3A_64 {offsets = [3], sizes = [1], strides = [1]} : vector<16xf32> to vector<1xf32>
        %squeeze3A_96 = vector.extract %slice3A_95[0] : f32 from vector<1xf32>
        %broadcast_in_dim3A_97 = vector.broadcast %squeeze3A_96 : f32 to vector<16xf32>
        %get3A_98 = arith.index_cast %add3A_54 : i32 to index
        %get3A_99 = arith.constant 48 : index
        %get3A_100 = tpu.vector_load %arg9[%get3A_98, %get3A_99] {strides = array<i32>} : memref<64x144xf32, #tpu.memory_space<vmem>>, vector<16xf32>,
        %mul3A_101 = arith.mulf %get3A_100, %broadcast_in_dim3A_97 : vector<16xf32>
        %swap3A_102 = arith.index_cast %add3A_54 : i32 to index
        %swap3A_103 = arith.constant 48 : index
        %swap3A_104 = tpu.vector_load %arg11[%swap3A_102, %swap3A_103] {strides = array<i32>} : memref<64x144xf32, #tpu.memory_space<vmem>>, vector<16xf32>,
        tpu.vector_store %arg11[%swap3A_102, %swap3A_103], %mul3A_101 {strides = array<i32>} : memref<64x144xf32, #tpu.memory_space<vmem>>, vector<16xf32>,
        %slice3A_105 = vector.extract_strided_slice %mul3A_64 {offsets = [4], sizes = [1], strides = [1]} : vector<16xf32> to vector<1xf32>
        %squeeze3A_106 = vector.extract %slice3A_105[0] : f32 from vector<1xf32>
        %broadcast_in_dim3A_107 = vector.broadcast %squeeze3A_106 : f32 to vector<16xf32>
        %get3A_108 = arith.index_cast %add3A_54 : i32 to index
        %get3A_109 = arith.constant 64 : index
        %get3A_110 = tpu.vector_load %arg9[%get3A_108, %get3A_109] {strides = array<i32>} : memref<64x144xf32, #tpu.memory_space<vmem>>, vector<16xf32>,
        %mul3A_111 = arith.mulf %get3A_110, %broadcast_in_dim3A_107 : vector<16xf32>
        %swap3A_112 = arith.index_cast %add3A_54 : i32 to index
        %swap3A_113 = arith.constant 64 : index
        %swap3A_114 = tpu.vector_load %arg11[%swap3A_112, %swap3A_113] {strides = array<i32>} : memref<64x144xf32, #tpu.memory_space<vmem>>, vector<16xf32>,
        tpu.vector_store %arg11[%swap3A_112, %swap3A_113], %mul3A_111 {strides = array<i32>} : memref<64x144xf32, #tpu.memory_space<vmem>>, vector<16xf32>,
        %slice3A_115 = vector.extract_strided_slice %mul3A_64 {offsets = [5], sizes = [1], strides = [1]} : vector<16xf32> to vector<1xf32>
        %squeeze3A_116 = vector.extract %slice3A_115[0] : f32 from vector<1xf32>
        %broadcast_in_dim3A_117 = vector.broadcast %squeeze3A_116 : f32 to vector<16xf32>
        %get3A_118 = arith.index_cast %add3A_54 : i32 to index
        %get3A_119 = arith.constant 80 : index
        %get3A_120 = tpu.vector_load %arg9[%get3A_118, %get3A_119] {strides = array<i32>} : memref<64x144xf32, #tpu.memory_space<vmem>>, vector<16xf32>,
        %mul3A_121 = arith.mulf %get3A_120, %broadcast_in_dim3A_117 : vector<16xf32>
        %swap3A_122 = arith.index_cast %add3A_54 : i32 to index
        %swap3A_123 = arith.constant 80 : index
        %swap3A_124 = tpu.vector_load %arg11[%swap3A_122, %swap3A_123] {strides = array<i32>} : memref<64x144xf32, #tpu.memory_space<vmem>>, vector<16xf32>,
        tpu.vector_store %arg11[%swap3A_122, %swap3A_123], %mul3A_121 {strides = array<i32>} : memref<64x144xf32, #tpu.memory_space<vmem>>, vector<16xf32>,
        %slice3A_125 = vector.extract_strided_slice %mul3A_64 {offsets = [6], sizes = [1], strides = [1]} : vector<16xf32> to vector<1xf32>
        %squeeze3A_126 = vector.extract %slice3A_125[0] : f32 from vector<1xf32>
        %broadcast_in_dim3A_127 = vector.broadcast %squeeze3A_126 : f32 to vector<16xf32>
        %get3A_128 = arith.index_cast %add3A_54 : i32 to index
        %get3A_129 = arith.constant 96 : index
        %get3A_130 = tpu.vector_load %arg9[%get3A_128, %get3A_129] {strides = array<i32>} : memref<64x144xf32, #tpu.memory_space<vmem>>, vector<16xf32>,
        %mul3A_131 = arith.mulf %get3A_130, %broadcast_in_dim3A_127 : vector<16xf32>
        %swap3A_132 = arith.index_cast %add3A_54 : i32 to index
        %swap3A_133 = arith.constant 96 : index
        %swap3A_134 = tpu.vector_load %arg11[%swap3A_132, %swap3A_133] {strides = array<i32>} : memref<64x144xf32, #tpu.memory_space<vmem>>, vector<16xf32>,
        tpu.vector_store %arg11[%swap3A_132, %swap3A_133], %mul3A_131 {strides = array<i32>} : memref<64x144xf32, #tpu.memory_space<vmem>>, vector<16xf32>,
        %slice3A_135 = vector.extract_strided_slice %mul3A_64 {offsets = [7], sizes = [1], strides = [1]} : vector<16xf32> to vector<1xf32>
        %squeeze3A_136 = vector.extract %slice3A_135[0] : f32 from vector<1xf32>
        %broadcast_in_dim3A_137 = vector.broadcast %squeeze3A_136 : f32 to vector<16xf32>
        %get3A_138 = arith.index_cast %add3A_54 : i32 to index
        %get3A_139 = arith.constant 112 : index
        %get3A_140 = tpu.vector_load %arg9[%get3A_138, %get3A_139] {strides = array<i32>} : memref<64x144xf32, #tpu.memory_space<vmem>>, vector<16xf32>,
        %mul3A_141 = arith.mulf %get3A_140, %broadcast_in_dim3A_137 : vector<16xf32>
        %swap3A_142 = arith.index_cast %add3A_54 : i32 to index
        %swap3A_143 = arith.constant 112 : index
        %swap3A_144 = tpu.vector_load %arg11[%swap3A_142, %swap3A_143] {strides = array<i32>} : memref<64x144xf32, #tpu.memory_space<vmem>>, vector<16xf32>,
        tpu.vector_store %arg11[%swap3A_142, %swap3A_143], %mul3A_141 {strides = array<i32>} : memref<64x144xf32, #tpu.memory_space<vmem>>, vector<16xf32>,
      }
      %scan3A_49 = arith.constant 64 : i32
      "tpu.region"() ({
        %run_scoped3A = tpu.sem_alloc : memref<!tpu.dma_semaphore, #tpu.memory_space<semaphore_mem>>
        %dma_start3A_50 = arith.constant 0 : i32
        %dma_start3A_51 = arith.constant 0 : i32
        %dma_start3A_52 = tpu.memref_slice %arg13[%dma_start3A_50, %dma_start3A_51] : memref<10112x144xf32, #tpu.memory_space<vmem_shared>> -> memref<10112x144xf32, #tpu.memory_space<vmem_shared>>
        tpu.enqueue_indirect_dma source(%arg11 : memref<64x144xf32, #tpu.memory_space<vmem>>) target(%dma_start3A_52 : memref<10112x144xf32, #tpu.memory_space<vmem_shared>>) offsets(%arg8 : memref<64xi32, #tpu.memory_space<vmem>>) semaphore(%run_scoped3A : memref<!tpu.dma_semaphore, #tpu.memory_space<semaphore_mem>>) {add = true}
        %dma_wait3A_53 = arith.constant 0 : i32
        %dma_wait3A_54 = arith.constant 0 : i32
        %dma_wait3A_55 = tpu.memref_slice %arg13[%dma_wait3A_53, %dma_wait3A_54] : memref<10112x144xf32, #tpu.memory_space<vmem_shared>> -> memref<10112x144xf32, #tpu.memory_space<vmem_shared>>
        tpu.wait_indirect_dma semaphore(%run_scoped3A : memref<!tpu.dma_semaphore, #tpu.memory_space<semaphore_mem>>) src(%arg11 : memref<64x144xf32, #tpu.memory_space<vmem>>) dst(%dma_wait3A_55 : memref<10112x144xf32, #tpu.memory_space<vmem_shared>>)
        tpu.yield
      }) : () -> ()
    }
    %scan3A_18 = arith.constant 162 : i32
    %barrier3A_19 = arith.constant 0 : index
    tpu.barrier barrier_id(%barrier3A_19)
    %scan3A_20 = arith.constant 0 : i32
    %scan3A_21 = arith.constant 158 : i32
    %scan3A_22 = arith.addi %scan3A_20, %scan3A_21 : i32
    %scan3A_23 = arith.constant 1 : i32
    scf.for %scan3A_25 = %scan3A_20 to %scan3A_22 step %scan3A_23  : i32 {
      %mul3A_26 = arith.constant 1 : i32
      %mul3A_27 = arith.muli %scan3A_25, %mul3A_26 : i32
      %add3A_28 = arith.constant 0 : i32
      %add3A_29 = arith.addi %add3A_28, %mul3A_27 : i32
      %rem3A = arith.constant 16 : i32
      %rem3A_30 = arith.remsi %add3A_29, %rem3A : i32
      %eq3A = arith.cmpi eq, %rem3A_30, %arg1 : i32
      %convert_element_type3A_31 = arith.extui %eq3A : i1 to i32
      %cond3A = arith.constant 0 : i32
      %cond3A_32 = arith.cmpi ne, %convert_element_type3A_31, %cond3A : i32
      scf.if %cond3A_32 {
        %mul3A_33 = arith.constant 64 : i32
        %mul3A_34 = arith.muli %add3A_29, %mul3A_33 : i32
        %mul3A_35 = arith.constant 64 : i32
        %mul3A_36 = arith.muli %add3A_29, %mul3A_35 : i32
        "tpu.region"() ({
          %run_scoped3A = tpu.sem_alloc : memref<!tpu.dma_semaphore, #tpu.memory_space<semaphore_mem>>
          %dma_start3A = arith.constant 0 : i32
          %dma_start3A_37 = tpu.memref_slice %arg6[%arg0, %mul3A_36, %dma_start3A] : memref<2x10112x144xf32, #tpu.memory_space<hbm>> -> memref<1x64x144xf32, #tpu.memory_space<hbm>>
          %dma_start3A_38 = tpu.memref_squeeze %dma_start3A_37 : memref<1x64x144xf32, #tpu.memory_space<hbm>> -> memref<64x144xf32, #tpu.memory_space<hbm>>
          %dma_start3A_39 = arith.constant 0 : i32
          %dma_start3A_40 = tpu.memref_slice %arg13[%mul3A_34, %dma_start3A_39] : memref<10112x144xf32, #tpu.memory_space<vmem_shared>> -> memref<64x144xf32, #tpu.memory_space<vmem_shared>>
          tpu.enqueue_dma source(%dma_start3A_40 : memref<64x144xf32, #tpu.memory_space<vmem_shared>>) target(%dma_start3A_38 : memref<64x144xf32, #tpu.memory_space<hbm>>) target_semaphore(%run_scoped3A : memref<!tpu.dma_semaphore, #tpu.memory_space<semaphore_mem>>)
          %dma_wait3A = arith.constant 0 : i32
          %dma_wait3A_41 = tpu.memref_slice %arg6[%arg0, %mul3A_36, %dma_wait3A] : memref<2x10112x144xf32, #tpu.memory_space<hbm>> -> memref<1x64x144xf32, #tpu.memory_space<hbm>>
          %dma_wait3A_42 = tpu.memref_squeeze %dma_wait3A_41 : memref<1x64x144xf32, #tpu.memory_space<hbm>> -> memref<64x144xf32, #tpu.memory_space<hbm>>
          %dma_wait3A_43 = arith.constant 0 : i32
          %dma_wait3A_44 = tpu.memref_slice %arg13[%mul3A_34, %dma_wait3A_43] : memref<10112x144xf32, #tpu.memory_space<vmem_shared>> -> memref<64x144xf32, #tpu.memory_space<vmem_shared>>
          tpu.wait_dma2 semaphore(%run_scoped3A : memref<!tpu.dma_semaphore, #tpu.memory_space<semaphore_mem>>) src(%dma_wait3A_44 : memref<64x144xf32, #tpu.memory_space<vmem_shared>>) dst(%dma_wait3A_42 : memref<64x144xf32, #tpu.memory_space<hbm>>)
          tpu.yield
        }) : () -> ()
      } else {
      }
    }
    %scan3A_24 = arith.constant 158 : i32
    return
  }
}

#map = affine_map<(d0, d1) -> (0, 0)>
#map1 = affine_map<(d0, d1) -> (0)>
#map2 = affine_map<(d0, d1) -> (0, 0, 0)>
module attributes {stable_mosaic.version = 14 : i64} {
  func.func @_sc2_body(%arg0: i32, %arg1: i32, %arg2: memref<10112x16xf32, #tpu.memory_space<hbm>>, %arg3: memref<10112x16xf32, #tpu.memory_space<hbm>>, %arg4: memref<331776xi32, #tpu.memory_space<hbm>>, %arg5: memref<331776xi32, #tpu.memory_space<hbm>>, %arg6: memref<2x10112x16xf32, #tpu.memory_space<hbm>>, %arg7: memref<64xi32, #tpu.memory_space<vmem>>, %arg8: memref<64xi32, #tpu.memory_space<vmem>>, %arg9: memref<64x16xf32, #tpu.memory_space<vmem>>, %arg10: memref<64x16xf32, #tpu.memory_space<vmem>>, %arg11: memref<64x16xf32, #tpu.memory_space<vmem>>, %arg12: memref<64x16xf32, #tpu.memory_space<vmem>>, %arg13: memref<10112x16xf32, #tpu.memory_space<vmem_shared>>, %arg14: memref<!tpu.dma_semaphore, #tpu.memory_space<semaphore_mem>>, %arg15: memref<!tpu.dma_semaphore, #tpu.memory_space<semaphore_mem>>) attributes {dimension_semantics = [#tpu.dimension_semantics<core_parallel>, #tpu.dimension_semantics<subcore_parallel>], iteration_bounds = array<i64: 2, 16>, scalar_prefetch = 0 : i64, scratch_operands = 9 : i64, tpu.core_type = #tpu.core_type<sc_vector_subcore>, window_params = [{transform_indices = #map}, {transform_indices = #map}, {transform_indices = #map1}, {transform_indices = #map1}, {transform_indices = #map2}]} {
    %mul3A = arith.constant 16 : i32
    %mul3A_0 = arith.muli %arg0, %mul3A : i32
    %add3A = arith.addi %mul3A_0, %arg1 : i32
    %broadcast_in_dim3A = arith.constant 0.000000e+00 : f32
    %broadcast_in_dim3A_1 = vector.broadcast %broadcast_in_dim3A : f32 to vector<16xf32>
    %iota3A = tpu.iota {dimensions = array<i32: 0>} : vector<16xi32>
    %ne3A = arith.constant 2 : i32
    %ne3A_2 = vector.broadcast %ne3A : i32 to vector<16xi32>
    %ne3A_3 = arith.cmpi ne, %iota3A, %ne3A_2 : vector<16xi32>
    %convert_element_type3A = arith.extui %ne3A_3 : vector<16xi1> to vector<16xi32>
    %convert_element_type3A_4 = arith.sitofp %convert_element_type3A : vector<16xi32> to vector<16xf32>
    %scan3A = arith.constant 0 : i32
    %scan3A_5 = arith.constant 64 : i32
    %scan3A_6 = arith.addi %scan3A, %scan3A_5 : i32
    %scan3A_7 = arith.constant 1 : i32
    scf.for %scan3A_25 = %scan3A to %scan3A_6 step %scan3A_7  : i32 {
      %mul3A_26 = arith.constant 1 : i32
      %mul3A_27 = arith.muli %scan3A_25, %mul3A_26 : i32
      %add3A_28 = arith.constant 0 : i32
      %add3A_29 = arith.addi %add3A_28, %mul3A_27 : i32
      %swap3A = arith.index_cast %add3A_29 : i32 to index
      %swap3A_30 = arith.constant 0 : index
      %swap3A_31 = tpu.vector_load %arg12[%swap3A, %swap3A_30] {strides = array<i32>} : memref<64x16xf32, #tpu.memory_space<vmem>>, vector<16xf32>,
      tpu.vector_store %arg12[%swap3A, %swap3A_30], %broadcast_in_dim3A_1 {strides = array<i32>} : memref<64x16xf32, #tpu.memory_space<vmem>>, vector<16xf32>,
    }
    %scan3A_8 = arith.constant 64 : i32
    %scan3A_9 = arith.constant 0 : i32
    %scan3A_10 = arith.constant 158 : i32
    %scan3A_11 = arith.addi %scan3A_9, %scan3A_10 : i32
    %scan3A_12 = arith.constant 1 : i32
    scf.for %scan3A_25 = %scan3A_9 to %scan3A_11 step %scan3A_12  : i32 {
      %mul3A_26 = arith.constant 1 : i32
      %mul3A_27 = arith.muli %scan3A_25, %mul3A_26 : i32
      %add3A_28 = arith.constant 0 : i32
      %add3A_29 = arith.addi %add3A_28, %mul3A_27 : i32
      %rem3A = arith.constant 16 : i32
      %rem3A_30 = arith.remsi %add3A_29, %rem3A : i32
      %eq3A = arith.cmpi eq, %rem3A_30, %arg1 : i32
      %convert_element_type3A_31 = arith.extui %eq3A : i1 to i32
      %cond3A = arith.constant 0 : i32
      %cond3A_32 = arith.cmpi ne, %convert_element_type3A_31, %cond3A : i32
      scf.if %cond3A_32 {
        %mul3A_33 = arith.constant 64 : i32
        %mul3A_34 = arith.muli %add3A_29, %mul3A_33 : i32
        "tpu.region"() ({
          %run_scoped3A = tpu.sem_alloc : memref<!tpu.dma_semaphore, #tpu.memory_space<semaphore_mem>>
          %dma_start3A = arith.constant 0 : i32
          %dma_start3A_35 = tpu.memref_slice %arg13[%mul3A_34, %dma_start3A] : memref<10112x16xf32, #tpu.memory_space<vmem_shared>> -> memref<64x16xf32, #tpu.memory_space<vmem_shared>>
          %dma_start3A_36 = arith.constant 0 : i32
          %dma_start3A_37 = tpu.memref_slice %arg13[%mul3A_34, %dma_start3A_36] : memref<10112x16xf32, #tpu.memory_space<vmem_shared>> -> memref<64x16xf32, #tpu.memory_space<vmem_shared>>
          tpu.enqueue_dma source(%arg12 : memref<64x16xf32, #tpu.memory_space<vmem>>) target(%dma_start3A_37 : memref<64x16xf32, #tpu.memory_space<vmem_shared>>) target_semaphore(%run_scoped3A : memref<!tpu.dma_semaphore, #tpu.memory_space<semaphore_mem>>)
          %dma_wait3A = arith.constant 0 : i32
          %dma_wait3A_38 = tpu.memref_slice %arg13[%mul3A_34, %dma_wait3A] : memref<10112x16xf32, #tpu.memory_space<vmem_shared>> -> memref<64x16xf32, #tpu.memory_space<vmem_shared>>
          %dma_wait3A_39 = arith.constant 0 : i32
          %dma_wait3A_40 = tpu.memref_slice %arg13[%mul3A_34, %dma_wait3A_39] : memref<10112x16xf32, #tpu.memory_space<vmem_shared>> -> memref<64x16xf32, #tpu.memory_space<vmem_shared>>
          tpu.wait_dma2 semaphore(%run_scoped3A : memref<!tpu.dma_semaphore, #tpu.memory_space<semaphore_mem>>) src(%arg12 : memref<64x16xf32, #tpu.memory_space<vmem>>) dst(%dma_wait3A_40 : memref<64x16xf32, #tpu.memory_space<vmem_shared>>)
          tpu.yield
        }) : () -> ()
      } else {
      }
    }
    %scan3A_13 = arith.constant 158 : i32
    %barrier3A = arith.constant 0 : index
    tpu.barrier barrier_id(%barrier3A)
    %scan3A_14 = arith.constant 0 : i32
    %scan3A_15 = arith.constant 162 : i32
    %scan3A_16 = arith.addi %scan3A_14, %scan3A_15 : i32
    %scan3A_17 = arith.constant 1 : i32
    scf.for %scan3A_25 = %scan3A_14 to %scan3A_16 step %scan3A_17  : i32 {
      %mul3A_26 = arith.constant 1 : i32
      %mul3A_27 = arith.muli %scan3A_25, %mul3A_26 : i32
      %add3A_28 = arith.constant 0 : i32
      %add3A_29 = arith.addi %add3A_28, %mul3A_27 : i32
      %mul3A_30 = arith.constant 162 : i32
      %mul3A_31 = arith.muli %add3A, %mul3A_30 : i32
      %add3A_32 = arith.addi %mul3A_31, %add3A_29 : i32
      %mul3A_33 = arith.constant 64 : i32
      %mul3A_34 = arith.muli %add3A_32, %mul3A_33 : i32
      "tpu.region"() ({
        %run_scoped3A = tpu.sem_alloc : memref<!tpu.dma_semaphore, #tpu.memory_space<semaphore_mem>>
        %dma_start3A_50 = tpu.memref_slice %arg4[%mul3A_34] : memref<331776xi32, #tpu.memory_space<hbm>> -> memref<64xi32, #tpu.memory_space<hbm>>
        %dma_start3A_51 = tpu.memref_slice %arg4[%mul3A_34] : memref<331776xi32, #tpu.memory_space<hbm>> -> memref<64xi32, #tpu.memory_space<hbm>>
        tpu.enqueue_dma source(%dma_start3A_51 : memref<64xi32, #tpu.memory_space<hbm>>) target(%arg7 : memref<64xi32, #tpu.memory_space<vmem>>) target_semaphore(%run_scoped3A : memref<!tpu.dma_semaphore, #tpu.memory_space<semaphore_mem>>)
        %dma_wait3A_52 = tpu.memref_slice %arg4[%mul3A_34] : memref<331776xi32, #tpu.memory_space<hbm>> -> memref<64xi32, #tpu.memory_space<hbm>>
        %dma_wait3A_53 = tpu.memref_slice %arg4[%mul3A_34] : memref<331776xi32, #tpu.memory_space<hbm>> -> memref<64xi32, #tpu.memory_space<hbm>>
        tpu.wait_dma2 semaphore(%run_scoped3A : memref<!tpu.dma_semaphore, #tpu.memory_space<semaphore_mem>>) src(%dma_wait3A_53 : memref<64xi32, #tpu.memory_space<hbm>>) dst(%arg7 : memref<64xi32, #tpu.memory_space<vmem>>)
        tpu.yield
      }) : () -> ()
      "tpu.region"() ({
        %run_scoped3A = tpu.sem_alloc : memref<!tpu.dma_semaphore, #tpu.memory_space<semaphore_mem>>
        %dma_start3A_50 = tpu.memref_slice %arg5[%mul3A_34] : memref<331776xi32, #tpu.memory_space<hbm>> -> memref<64xi32, #tpu.memory_space<hbm>>
        %dma_start3A_51 = tpu.memref_slice %arg5[%mul3A_34] : memref<331776xi32, #tpu.memory_space<hbm>> -> memref<64xi32, #tpu.memory_space<hbm>>
        tpu.enqueue_dma source(%dma_start3A_51 : memref<64xi32, #tpu.memory_space<hbm>>) target(%arg8 : memref<64xi32, #tpu.memory_space<vmem>>) target_semaphore(%run_scoped3A : memref<!tpu.dma_semaphore, #tpu.memory_space<semaphore_mem>>)
        %dma_wait3A_52 = tpu.memref_slice %arg5[%mul3A_34] : memref<331776xi32, #tpu.memory_space<hbm>> -> memref<64xi32, #tpu.memory_space<hbm>>
        %dma_wait3A_53 = tpu.memref_slice %arg5[%mul3A_34] : memref<331776xi32, #tpu.memory_space<hbm>> -> memref<64xi32, #tpu.memory_space<hbm>>
        tpu.wait_dma2 semaphore(%run_scoped3A : memref<!tpu.dma_semaphore, #tpu.memory_space<semaphore_mem>>) src(%dma_wait3A_53 : memref<64xi32, #tpu.memory_space<hbm>>) dst(%arg8 : memref<64xi32, #tpu.memory_space<vmem>>)
        tpu.yield
      }) : () -> ()
      %dma_start3A = arith.constant 0 : i32
      %dma_start3A_35 = arith.constant 0 : i32
      %dma_start3A_36 = tpu.memref_slice %arg2[%dma_start3A, %dma_start3A_35] : memref<10112x16xf32, #tpu.memory_space<hbm>> -> memref<10112x16xf32, #tpu.memory_space<hbm>>
      tpu.enqueue_indirect_dma source(%dma_start3A_36 : memref<10112x16xf32, #tpu.memory_space<hbm>>) target(%arg9 : memref<64x16xf32, #tpu.memory_space<vmem>>) offsets(%arg7 : memref<64xi32, #tpu.memory_space<vmem>>) semaphore(%arg14 : memref<!tpu.dma_semaphore, #tpu.memory_space<semaphore_mem>>)
      %dma_start3A_37 = arith.constant 0 : i32
      %dma_start3A_38 = arith.constant 0 : i32
      %dma_start3A_39 = tpu.memref_slice %arg3[%dma_start3A_37, %dma_start3A_38] : memref<10112x16xf32, #tpu.memory_space<hbm>> -> memref<10112x16xf32, #tpu.memory_space<hbm>>
      tpu.enqueue_indirect_dma source(%dma_start3A_39 : memref<10112x16xf32, #tpu.memory_space<hbm>>) target(%arg10 : memref<64x16xf32, #tpu.memory_space<vmem>>) offsets(%arg8 : memref<64xi32, #tpu.memory_space<vmem>>) semaphore(%arg15 : memref<!tpu.dma_semaphore, #tpu.memory_space<semaphore_mem>>)
      %dma_wait3A = arith.constant 0 : i32
      %dma_wait3A_40 = arith.constant 0 : i32
      %dma_wait3A_41 = tpu.memref_slice %arg2[%dma_wait3A, %dma_wait3A_40] : memref<10112x16xf32, #tpu.memory_space<hbm>> -> memref<10112x16xf32, #tpu.memory_space<hbm>>
      tpu.wait_indirect_dma semaphore(%arg14 : memref<!tpu.dma_semaphore, #tpu.memory_space<semaphore_mem>>) src(%dma_wait3A_41 : memref<10112x16xf32, #tpu.memory_space<hbm>>) dst(%arg9 : memref<64x16xf32, #tpu.memory_space<vmem>>)
      %dma_wait3A_42 = arith.constant 0 : i32
      %dma_wait3A_43 = arith.constant 0 : i32
      %dma_wait3A_44 = tpu.memref_slice %arg3[%dma_wait3A_42, %dma_wait3A_43] : memref<10112x16xf32, #tpu.memory_space<hbm>> -> memref<10112x16xf32, #tpu.memory_space<hbm>>
      tpu.wait_indirect_dma semaphore(%arg15 : memref<!tpu.dma_semaphore, #tpu.memory_space<semaphore_mem>>) src(%dma_wait3A_44 : memref<10112x16xf32, #tpu.memory_space<hbm>>) dst(%arg10 : memref<64x16xf32, #tpu.memory_space<vmem>>)
      %scan3A_45 = arith.constant 0 : i32
      %scan3A_46 = arith.constant 64 : i32
      %scan3A_47 = arith.addi %scan3A_45, %scan3A_46 : i32
      %scan3A_48 = arith.constant 1 : i32
      scf.for %scan3A_50 = %scan3A_45 to %scan3A_47 step %scan3A_48  : i32 {
        %mul3A_51 = arith.constant 1 : i32
        %mul3A_52 = arith.muli %scan3A_50, %mul3A_51 : i32
        %add3A_53 = arith.constant 0 : i32
        %add3A_54 = arith.addi %add3A_53, %mul3A_52 : i32
        %get3A = arith.index_cast %add3A_54 : i32 to index
        %get3A_55 = arith.constant 0 : index
        %get3A_56 = tpu.vector_load %arg9[%get3A, %get3A_55] {strides = array<i32>} : memref<64x16xf32, #tpu.memory_space<vmem>>, vector<16xf32>,
        %get3A_57 = arith.index_cast %add3A_54 : i32 to index
        %get3A_58 = arith.constant 0 : index
        %get3A_59 = tpu.vector_load %arg10[%get3A_57, %get3A_58] {strides = array<i32>} : memref<64x16xf32, #tpu.memory_space<vmem>>, vector<16xf32>,
        %slice3A = vector.extract_strided_slice %get3A_56 {offsets = [2], sizes = [1], strides = [1]} : vector<16xf32> to vector<1xf32>
        %squeeze3A = vector.extract %slice3A[0] : f32 from vector<1xf32>
        %slice3A_60 = vector.extract_strided_slice %get3A_59 {offsets = [2], sizes = [1], strides = [1]} : vector<16xf32> to vector<1xf32>
        %squeeze3A_61 = vector.extract %slice3A_60[0] : f32 from vector<1xf32>
        %add3A_62 = arith.addf %squeeze3A, %squeeze3A_61 : f32
        %broadcast_in_dim3A_63 = vector.broadcast %add3A_62 : f32 to vector<16xf32>
        %mul3A_64 = arith.constant 2.000000e-01 : f32
        %mul3A_65 = vector.broadcast %mul3A_64 : f32 to vector<16xf32>
        %mul3A_66 = arith.mulf %broadcast_in_dim3A_63, %mul3A_65 : vector<16xf32>
        %max3A = arith.maximumf %broadcast_in_dim3A_63, %mul3A_66 : vector<16xf32>
        %exp3A = math.exp %max3A : vector<16xf32>
        %mul3A_67 = arith.mulf %exp3A, %get3A_56 : vector<16xf32>
        %mul3A_68 = arith.mulf %mul3A_67, %convert_element_type3A_4 : vector<16xf32>
        %swap3A = arith.index_cast %add3A_54 : i32 to index
        %swap3A_69 = arith.constant 0 : index
        %swap3A_70 = tpu.vector_load %arg11[%swap3A, %swap3A_69] {strides = array<i32>} : memref<64x16xf32, #tpu.memory_space<vmem>>, vector<16xf32>,
        tpu.vector_store %arg11[%swap3A, %swap3A_69], %mul3A_68 {strides = array<i32>} : memref<64x16xf32, #tpu.memory_space<vmem>>, vector<16xf32>,
      }
      %scan3A_49 = arith.constant 64 : i32
      "tpu.region"() ({
        %run_scoped3A = tpu.sem_alloc : memref<!tpu.dma_semaphore, #tpu.memory_space<semaphore_mem>>
        %dma_start3A_50 = arith.constant 0 : i32
        %dma_start3A_51 = arith.constant 0 : i32
        %dma_start3A_52 = tpu.memref_slice %arg13[%dma_start3A_50, %dma_start3A_51] : memref<10112x16xf32, #tpu.memory_space<vmem_shared>> -> memref<10112x16xf32, #tpu.memory_space<vmem_shared>>
        tpu.enqueue_indirect_dma source(%arg11 : memref<64x16xf32, #tpu.memory_space<vmem>>) target(%dma_start3A_52 : memref<10112x16xf32, #tpu.memory_space<vmem_shared>>) offsets(%arg8 : memref<64xi32, #tpu.memory_space<vmem>>) semaphore(%run_scoped3A : memref<!tpu.dma_semaphore, #tpu.memory_space<semaphore_mem>>) {add = true}
        %dma_wait3A_53 = arith.constant 0 : i32
        %dma_wait3A_54 = arith.constant 0 : i32
        %dma_wait3A_55 = tpu.memref_slice %arg13[%dma_wait3A_53, %dma_wait3A_54] : memref<10112x16xf32, #tpu.memory_space<vmem_shared>> -> memref<10112x16xf32, #tpu.memory_space<vmem_shared>>
        tpu.wait_indirect_dma semaphore(%run_scoped3A : memref<!tpu.dma_semaphore, #tpu.memory_space<semaphore_mem>>) src(%arg11 : memref<64x16xf32, #tpu.memory_space<vmem>>) dst(%dma_wait3A_55 : memref<10112x16xf32, #tpu.memory_space<vmem_shared>>)
        tpu.yield
      }) : () -> ()
    }
    %scan3A_18 = arith.constant 162 : i32
    %barrier3A_19 = arith.constant 0 : index
    tpu.barrier barrier_id(%barrier3A_19)
    %scan3A_20 = arith.constant 0 : i32
    %scan3A_21 = arith.constant 158 : i32
    %scan3A_22 = arith.addi %scan3A_20, %scan3A_21 : i32
    %scan3A_23 = arith.constant 1 : i32
    scf.for %scan3A_25 = %scan3A_20 to %scan3A_22 step %scan3A_23  : i32 {
      %mul3A_26 = arith.constant 1 : i32
      %mul3A_27 = arith.muli %scan3A_25, %mul3A_26 : i32
      %add3A_28 = arith.constant 0 : i32
      %add3A_29 = arith.addi %add3A_28, %mul3A_27 : i32
      %rem3A = arith.constant 16 : i32
      %rem3A_30 = arith.remsi %add3A_29, %rem3A : i32
      %eq3A = arith.cmpi eq, %rem3A_30, %arg1 : i32
      %convert_element_type3A_31 = arith.extui %eq3A : i1 to i32
      %cond3A = arith.constant 0 : i32
      %cond3A_32 = arith.cmpi ne, %convert_element_type3A_31, %cond3A : i32
      scf.if %cond3A_32 {
        %mul3A_33 = arith.constant 64 : i32
        %mul3A_34 = arith.muli %add3A_29, %mul3A_33 : i32
        %mul3A_35 = arith.constant 64 : i32
        %mul3A_36 = arith.muli %add3A_29, %mul3A_35 : i32
        "tpu.region"() ({
          %run_scoped3A = tpu.sem_alloc : memref<!tpu.dma_semaphore, #tpu.memory_space<semaphore_mem>>
          %dma_start3A = arith.constant 0 : i32
          %dma_start3A_37 = tpu.memref_slice %arg6[%arg0, %mul3A_36, %dma_start3A] : memref<2x10112x16xf32, #tpu.memory_space<hbm>> -> memref<1x64x16xf32, #tpu.memory_space<hbm>>
          %dma_start3A_38 = tpu.memref_squeeze %dma_start3A_37 : memref<1x64x16xf32, #tpu.memory_space<hbm>> -> memref<64x16xf32, #tpu.memory_space<hbm>>
          %dma_start3A_39 = arith.constant 0 : i32
          %dma_start3A_40 = tpu.memref_slice %arg13[%mul3A_34, %dma_start3A_39] : memref<10112x16xf32, #tpu.memory_space<vmem_shared>> -> memref<64x16xf32, #tpu.memory_space<vmem_shared>>
          tpu.enqueue_dma source(%dma_start3A_40 : memref<64x16xf32, #tpu.memory_space<vmem_shared>>) target(%dma_start3A_38 : memref<64x16xf32, #tpu.memory_space<hbm>>) target_semaphore(%run_scoped3A : memref<!tpu.dma_semaphore, #tpu.memory_space<semaphore_mem>>)
          %dma_wait3A = arith.constant 0 : i32
          %dma_wait3A_41 = tpu.memref_slice %arg6[%arg0, %mul3A_36, %dma_wait3A] : memref<2x10112x16xf32, #tpu.memory_space<hbm>> -> memref<1x64x16xf32, #tpu.memory_space<hbm>>
          %dma_wait3A_42 = tpu.memref_squeeze %dma_wait3A_41 : memref<1x64x16xf32, #tpu.memory_space<hbm>> -> memref<64x16xf32, #tpu.memory_space<hbm>>
          %dma_wait3A_43 = arith.constant 0 : i32
          %dma_wait3A_44 = tpu.memref_slice %arg13[%mul3A_34, %dma_wait3A_43] : memref<10112x16xf32, #tpu.memory_space<vmem_shared>> -> memref<64x16xf32, #tpu.memory_space<vmem_shared>>
          tpu.wait_dma2 semaphore(%run_scoped3A : memref<!tpu.dma_semaphore, #tpu.memory_space<semaphore_mem>>) src(%dma_wait3A_44 : memref<64x16xf32, #tpu.memory_space<vmem_shared>>) dst(%dma_wait3A_42 : memref<64x16xf32, #tpu.memory_space<hbm>>)
          tpu.yield
        }) : () -> ()
      } else {
      }
    }
    %scan3A_24 = arith.constant 158 : i32
    return
  }
}

module attributes {stable_mosaic.version = 14 : i64} {
  func.func @_tc1_body(%arg0: i32, %arg1: memref<128x128xf32, #tpu.memory_space<vmem>>, %arg2: memref<128x128xf32, #tpu.memory_space<vmem>>, %arg3: memref<128x16xf32, #tpu.memory_space<vmem>>, %arg4: memref<128x16xf32, #tpu.memory_space<vmem>>, %arg5: memref<128x144xf32, #tpu.memory_space<vmem>>, %arg6: memref<128x16xf32, #tpu.memory_space<vmem>>) attributes {dimension_semantics = [#tpu.dimension_semantics<arbitrary>], iteration_bounds = array<i64: 79>, scalar_prefetch = 0 : i64, scratch_operands = 0 : i64, tpu.core_type = #tpu.core_type<tc>, window_params = [{transform_indices = @transform_0, window_bounds = array<i64: 128, 128>}, {pipeline_mode = #tpu.pipeline_mode<synchronous>, transform_indices = @transform_1, window_bounds = array<i64: 128, 128>}, {pipeline_mode = #tpu.pipeline_mode<synchronous>, transform_indices = @transform_2, window_bounds = array<i64: 128, 16>}, {pipeline_mode = #tpu.pipeline_mode<synchronous>, transform_indices = @transform_3, window_bounds = array<i64: 128, 16>}, {transform_indices = @transform_4, window_bounds = array<i64: 128, 144>}, {transform_indices = @transform_5, window_bounds = array<i64: 128, 16>}]} {
    %get3A = arith.constant 0 : index
    %get3A_0 = arith.constant 0 : index
    %get3A_1 = vector.load %arg1[%get3A, %get3A_0] : memref<128x128xf32, #tpu.memory_space<vmem>>, vector<128x128xf32>
    %get3A_2 = arith.constant 0 : index
    %get3A_3 = arith.constant 0 : index
    %get3A_4 = vector.load %arg2[%get3A_2, %get3A_3] : memref<128x128xf32, #tpu.memory_space<vmem>>, vector<128x128xf32>
    %dot_general3A = arith.constant dense<0.000000e+00> : vector<128x128xf32>
    %dot_general3A_5 = tpu.matmul %get3A_1, %get3A_4, %dot_general3A {dimension_numbers = #tpu.dot_dimension_numbers<[1], [1], [0], [0], [0, 0, 1, 0], [], []>, transpose_lhs_hint = false} : vector<128x128xf32>, vector<128x128xf32>, vector<128x128xf32> -> vector<128x128xf32>
    %get3A_6 = arith.constant 0 : index
    %get3A_7 = arith.constant 0 : index
    %get3A_8 = vector.load %arg3[%get3A_6, %get3A_7] : memref<128x16xf32, #tpu.memory_space<vmem>>, vector<128x16xf32>
    %dot_general3A_9 = arith.constant dense<0.000000e+00> : vector<128x16xf32>
    %dot_general3A_10 = tpu.matmul %dot_general3A_5, %get3A_8, %dot_general3A_9 {dimension_numbers = #tpu.dot_dimension_numbers<[1], [0], [0], [1], [0, 0, 1, 1], [], []>, transpose_lhs_hint = false} : vector<128x128xf32>, vector<128x16xf32>, vector<128x16xf32> -> vector<128x16xf32>
    %get3A_11 = arith.constant 0 : index
    %get3A_12 = arith.constant 0 : index
    %get3A_13 = vector.load %arg4[%get3A_11, %get3A_12] : memref<128x16xf32, #tpu.memory_space<vmem>>, vector<128x16xf32>
    %dot_general3A_14 = arith.constant dense<0.000000e+00> : vector<128x16xf32>
    %dot_general3A_15 = tpu.matmul %dot_general3A_5, %get3A_13, %dot_general3A_14 {dimension_numbers = #tpu.dot_dimension_numbers<[1], [0], [0], [1], [0, 0, 1, 1], [], []>, transpose_lhs_hint = false} : vector<128x128xf32>, vector<128x16xf32>, vector<128x16xf32> -> vector<128x16xf32>
    %swap3A = arith.constant 0 : index
    %swap3A_16 = arith.constant 0 : index
    %swap3A_17 = vector.load %arg6[%swap3A, %swap3A_16] : memref<128x16xf32, #tpu.memory_space<vmem>>, vector<128x16xf32>
    tpu.vector_store %arg6[%swap3A, %swap3A_16], %dot_general3A_15 {strides = array<i32>} : memref<128x16xf32, #tpu.memory_space<vmem>>, vector<128x16xf32>,
    %concatenate3A = tpu.concatenate %dot_general3A_5, %dot_general3A_10 in 1 : vector<128x128xf32>, vector<128x16xf32> -> vector<128x144xf32>
    %swap3A_18 = arith.constant 0 : index
    %swap3A_19 = arith.constant 0 : index
    %swap3A_20 = vector.load %arg5[%swap3A_18, %swap3A_19] : memref<128x144xf32, #tpu.memory_space<vmem>>, vector<128x144xf32>
    tpu.vector_store %arg5[%swap3A_18, %swap3A_19], %concatenate3A {strides = array<i32>} : memref<128x144xf32, #tpu.memory_space<vmem>>, vector<128x144xf32>,
    return
  }
  func.func @transform_0(%arg0: i32) -> (i32, i32) {
    %c0_i32 = arith.constant 0 : i32
    %c0_i32_0 = arith.constant 0 : i32
    return %arg0, %c0_i32 : i32, i32
  }
  func.func @transform_1(%arg0: i32) -> (i32, i32) {
    %c0_i32 = arith.constant 0 : i32
    %c0_i32_0 = arith.constant 0 : i32
    %c0_i32_1 = arith.constant 0 : i32
    return %c0_i32, %c0_i32_0 : i32, i32
  }
  func.func @transform_2(%arg0: i32) -> (i32, i32) {
    %c0_i32 = arith.constant 0 : i32
    %c0_i32_0 = arith.constant 0 : i32
    %c0_i32_1 = arith.constant 0 : i32
    return %c0_i32, %c0_i32_0 : i32, i32
  }
  func.func @transform_3(%arg0: i32) -> (i32, i32) {
    %c0_i32 = arith.constant 0 : i32
    %c0_i32_0 = arith.constant 0 : i32
    %c0_i32_1 = arith.constant 0 : i32
    return %c0_i32, %c0_i32_0 : i32, i32
  }
  func.func @transform_4(%arg0: i32) -> (i32, i32) {
    %c0_i32 = arith.constant 0 : i32
    %c0_i32_0 = arith.constant 0 : i32
    return %arg0, %c0_i32 : i32, i32
  }
  func.func @transform_5(%arg0: i32) -> (i32, i32) {
    %c0_i32 = arith.constant 0 : i32
    %c0_i32_0 = arith.constant 0 : i32
    return %arg0, %c0_i32 : i32, i32
  }
}

module attributes {stable_mosaic.version = 14 : i64} {
  func.func @_tc2_body(%arg0: i32, %arg1: memref<128x144xf32, #tpu.memory_space<vmem>>, %arg2: memref<128x144xf32, #tpu.memory_space<vmem>>, %arg3: memref<1x128xf32, #tpu.memory_space<vmem>>, %arg4: memref<128x16xf32, #tpu.memory_space<vmem>>, %arg5: memref<128x16xf32, #tpu.memory_space<vmem>>, %arg6: memref<128x16xf32, #tpu.memory_space<vmem>>, %arg7: memref<128x16xf32, #tpu.memory_space<vmem>>) attributes {dimension_semantics = [#tpu.dimension_semantics<arbitrary>], iteration_bounds = array<i64: 79>, scalar_prefetch = 0 : i64, scratch_operands = 0 : i64, tpu.core_type = #tpu.core_type<tc>, window_params = [{transform_indices = @transform_0, window_bounds = array<i64: 128, 144>}, {transform_indices = @transform_1, window_bounds = array<i64: 128, 144>}, {pipeline_mode = #tpu.pipeline_mode<synchronous>, transform_indices = @transform_2, window_bounds = array<i64: 1, 128>}, {pipeline_mode = #tpu.pipeline_mode<synchronous>, transform_indices = @transform_3, window_bounds = array<i64: 128, 16>}, {pipeline_mode = #tpu.pipeline_mode<synchronous>, transform_indices = @transform_4, window_bounds = array<i64: 128, 16>}, {transform_indices = @transform_5, window_bounds = array<i64: 128, 16>}, {transform_indices = @transform_6, window_bounds = array<i64: 128, 16>}]} {
    %get3A = arith.constant 0 : index
    %get3A_0 = arith.constant 0 : index
    %get3A_1 = vector.load %arg1[%get3A, %get3A_0] : memref<128x144xf32, #tpu.memory_space<vmem>>, vector<128x144xf32>
    %get3A_2 = arith.constant 0 : index
    %get3A_3 = arith.constant 0 : index
    %get3A_4 = vector.load %arg2[%get3A_2, %get3A_3] : memref<128x144xf32, #tpu.memory_space<vmem>>, vector<128x144xf32>
    %add3A = arith.addf %get3A_1, %get3A_4 : vector<128x144xf32>
    %slice3A = vector.extract_strided_slice %add3A {offsets = [0, 0], sizes = [128, 128], strides = [1, 1]} : vector<128x144xf32> to vector<128x128xf32>
    %slice3A_5 = vector.extract_strided_slice %add3A {offsets = [0, 128], sizes = [128, 8], strides = [1, 1]} : vector<128x144xf32> to vector<128x8xf32>
    %slice3A_6 = vector.extract_strided_slice %slice3A_5 {offsets = [0, 0], sizes = [128, 1], strides = [1, 1]} : vector<128x8xf32> to vector<128x1xf32>
    %broadcast_in_dim3A = vector.shape_cast %slice3A_6 : vector<128x1xf32> to vector<128x1xf32>
    %broadcast_in_dim3A_7 = vector.broadcast %broadcast_in_dim3A : vector<128x1xf32> to vector<128x16xf32>
    %slice3A_8 = vector.extract_strided_slice %slice3A_5 {offsets = [0, 1], sizes = [128, 1], strides = [1, 1]} : vector<128x8xf32> to vector<128x1xf32>
    %broadcast_in_dim3A_9 = vector.shape_cast %slice3A_8 : vector<128x1xf32> to vector<128x1xf32>
    %broadcast_in_dim3A_10 = vector.broadcast %broadcast_in_dim3A_9 : vector<128x1xf32> to vector<128x16xf32>
    %slice3A_11 = vector.extract_strided_slice %slice3A_5 {offsets = [0, 2], sizes = [128, 1], strides = [1, 1]} : vector<128x8xf32> to vector<128x1xf32>
    %broadcast_in_dim3A_12 = vector.shape_cast %slice3A_11 : vector<128x1xf32> to vector<128x1xf32>
    %broadcast_in_dim3A_13 = vector.broadcast %broadcast_in_dim3A_12 : vector<128x1xf32> to vector<128x16xf32>
    %slice3A_14 = vector.extract_strided_slice %slice3A_5 {offsets = [0, 3], sizes = [128, 1], strides = [1, 1]} : vector<128x8xf32> to vector<128x1xf32>
    %broadcast_in_dim3A_15 = vector.shape_cast %slice3A_14 : vector<128x1xf32> to vector<128x1xf32>
    %broadcast_in_dim3A_16 = vector.broadcast %broadcast_in_dim3A_15 : vector<128x1xf32> to vector<128x16xf32>
    %slice3A_17 = vector.extract_strided_slice %slice3A_5 {offsets = [0, 4], sizes = [128, 1], strides = [1, 1]} : vector<128x8xf32> to vector<128x1xf32>
    %broadcast_in_dim3A_18 = vector.shape_cast %slice3A_17 : vector<128x1xf32> to vector<128x1xf32>
    %broadcast_in_dim3A_19 = vector.broadcast %broadcast_in_dim3A_18 : vector<128x1xf32> to vector<128x16xf32>
    %slice3A_20 = vector.extract_strided_slice %slice3A_5 {offsets = [0, 5], sizes = [128, 1], strides = [1, 1]} : vector<128x8xf32> to vector<128x1xf32>
    %broadcast_in_dim3A_21 = vector.shape_cast %slice3A_20 : vector<128x1xf32> to vector<128x1xf32>
    %broadcast_in_dim3A_22 = vector.broadcast %broadcast_in_dim3A_21 : vector<128x1xf32> to vector<128x16xf32>
    %slice3A_23 = vector.extract_strided_slice %slice3A_5 {offsets = [0, 6], sizes = [128, 1], strides = [1, 1]} : vector<128x8xf32> to vector<128x1xf32>
    %broadcast_in_dim3A_24 = vector.shape_cast %slice3A_23 : vector<128x1xf32> to vector<128x1xf32>
    %broadcast_in_dim3A_25 = vector.broadcast %broadcast_in_dim3A_24 : vector<128x1xf32> to vector<128x16xf32>
    %slice3A_26 = vector.extract_strided_slice %slice3A_5 {offsets = [0, 7], sizes = [128, 1], strides = [1, 1]} : vector<128x8xf32> to vector<128x1xf32>
    %broadcast_in_dim3A_27 = vector.shape_cast %slice3A_26 : vector<128x1xf32> to vector<128x1xf32>
    %broadcast_in_dim3A_28 = vector.broadcast %broadcast_in_dim3A_27 : vector<128x1xf32> to vector<128x16xf32>
    %concatenate3A = tpu.concatenate %broadcast_in_dim3A_7, %broadcast_in_dim3A_10, %broadcast_in_dim3A_13, %broadcast_in_dim3A_16, %broadcast_in_dim3A_19, %broadcast_in_dim3A_22, %broadcast_in_dim3A_25, %broadcast_in_dim3A_28 in 1 : vector<128x16xf32>, vector<128x16xf32>, vector<128x16xf32>, vector<128x16xf32>, vector<128x16xf32>, vector<128x16xf32>, vector<128x16xf32>, vector<128x16xf32> -> vector<128x128xf32>
    %div3A = arith.divf %slice3A, %concatenate3A : vector<128x128xf32>
    %get3A_29 = arith.constant 0 : index
    %get3A_30 = arith.constant 0 : index
    %get3A_31 = vector.load %arg3[%get3A_29, %get3A_30] : memref<1x128xf32, #tpu.memory_space<vmem>>, vector<1x128xf32>
    %add3A_32 = vector.broadcast %get3A_31 : vector<1x128xf32> to vector<128x128xf32>
    %add3A_33 = arith.addf %div3A, %add3A_32 : vector<128x128xf32>
    %gt3A = arith.constant 0.000000e+00 : f32
    %gt3A_34 = vector.broadcast %gt3A : f32 to vector<128x128xf32>
    %gt3A_35 = arith.cmpf ogt, %add3A_33, %gt3A_34 : vector<128x128xf32>
    %exp3A = math.exp %add3A_33 : vector<128x128xf32>
    %sub3A = arith.constant 1.000000e+00 : f32
    %sub3A_36 = vector.broadcast %sub3A : f32 to vector<128x128xf32>
    %sub3A_37 = arith.subf %exp3A, %sub3A_36 : vector<128x128xf32>
    %select_n3A = arith.select %gt3A_35, %add3A_33, %sub3A_37 : vector<128x128xi1>, vector<128x128xf32>
    %get3A_38 = arith.constant 0 : index
    %get3A_39 = arith.constant 0 : index
    %get3A_40 = vector.load %arg4[%get3A_38, %get3A_39] : memref<128x16xf32, #tpu.memory_space<vmem>>, vector<128x16xf32>
    %dot_general3A = arith.constant dense<0.000000e+00> : vector<128x16xf32>
    %dot_general3A_41 = tpu.matmul %select_n3A, %get3A_40, %dot_general3A {dimension_numbers = #tpu.dot_dimension_numbers<[1], [0], [0], [1], [0, 0, 1, 1], [], []>, transpose_lhs_hint = false} : vector<128x128xf32>, vector<128x16xf32>, vector<128x16xf32> -> vector<128x16xf32>
    %iota3A = tpu.iota {dimensions = array<i32: 1>} : vector<128x16xi32>
    %eq3A = arith.constant 3 : i32
    %eq3A_42 = vector.broadcast %eq3A : i32 to vector<128x16xi32>
    %eq3A_43 = arith.cmpi eq, %iota3A, %eq3A_42 : vector<128x16xi32>
    %convert_element_type3A = arith.extui %eq3A_43 : vector<128x16xi1> to vector<128x16xi32>
    %convert_element_type3A_44 = arith.sitofp %convert_element_type3A : vector<128x16xi32> to vector<128x16xf32>
    %add3A_45 = arith.addf %dot_general3A_41, %convert_element_type3A_44 : vector<128x16xf32>
    %swap3A = arith.constant 0 : index
    %swap3A_46 = arith.constant 0 : index
    %swap3A_47 = vector.load %arg6[%swap3A, %swap3A_46] : memref<128x16xf32, #tpu.memory_space<vmem>>, vector<128x16xf32>
    tpu.vector_store %arg6[%swap3A, %swap3A_46], %add3A_45 {strides = array<i32>} : memref<128x16xf32, #tpu.memory_space<vmem>>, vector<128x16xf32>,
    %get3A_48 = arith.constant 0 : index
    %get3A_49 = arith.constant 0 : index
    %get3A_50 = vector.load %arg5[%get3A_48, %get3A_49] : memref<128x16xf32, #tpu.memory_space<vmem>>, vector<128x16xf32>
    %dot_general3A_51 = arith.constant dense<0.000000e+00> : vector<128x16xf32>
    %dot_general3A_52 = tpu.matmul %select_n3A, %get3A_50, %dot_general3A_51 {dimension_numbers = #tpu.dot_dimension_numbers<[1], [0], [0], [1], [0, 0, 1, 1], [], []>, transpose_lhs_hint = false} : vector<128x128xf32>, vector<128x16xf32>, vector<128x16xf32> -> vector<128x16xf32>
    %swap3A_53 = arith.constant 0 : index
    %swap3A_54 = arith.constant 0 : index
    %swap3A_55 = vector.load %arg7[%swap3A_53, %swap3A_54] : memref<128x16xf32, #tpu.memory_space<vmem>>, vector<128x16xf32>
    tpu.vector_store %arg7[%swap3A_53, %swap3A_54], %dot_general3A_52 {strides = array<i32>} : memref<128x16xf32, #tpu.memory_space<vmem>>, vector<128x16xf32>,
    return
  }
  func.func @transform_0(%arg0: i32) -> (i32, i32) {
    %c0_i32 = arith.constant 0 : i32
    %c0_i32_0 = arith.constant 0 : i32
    return %arg0, %c0_i32 : i32, i32
  }
  func.func @transform_1(%arg0: i32) -> (i32, i32) {
    %c0_i32 = arith.constant 0 : i32
    %c0_i32_0 = arith.constant 0 : i32
    return %arg0, %c0_i32 : i32, i32
  }
  func.func @transform_2(%arg0: i32) -> (i32, i32) {
    %c0_i32 = arith.constant 0 : i32
    %c0_i32_0 = arith.constant 0 : i32
    %c0_i32_1 = arith.constant 0 : i32
    return %c0_i32, %c0_i32_0 : i32, i32
  }
  func.func @transform_3(%arg0: i32) -> (i32, i32) {
    %c0_i32 = arith.constant 0 : i32
    %c0_i32_0 = arith.constant 0 : i32
    %c0_i32_1 = arith.constant 0 : i32
    return %c0_i32, %c0_i32_0 : i32, i32
  }
  func.func @transform_4(%arg0: i32) -> (i32, i32) {
    %c0_i32 = arith.constant 0 : i32
    %c0_i32_0 = arith.constant 0 : i32
    %c0_i32_1 = arith.constant 0 : i32
    return %c0_i32, %c0_i32_0 : i32, i32
  }
  func.func @transform_5(%arg0: i32) -> (i32, i32) {
    %c0_i32 = arith.constant 0 : i32
    %c0_i32_0 = arith.constant 0 : i32
    return %arg0, %c0_i32 : i32, i32
  }
  func.func @transform_6(%arg0: i32) -> (i32, i32) {
    %c0_i32 = arith.constant 0 : i32
    %c0_i32_0 = arith.constant 0 : i32
    return %arg0, %c0_i32 : i32, i32
  }
}

module attributes {stable_mosaic.version = 14 : i64} {
  func.func @_tc3_body(%arg0: i32, %arg1: memref<128x16xf32, #tpu.memory_space<vmem>>, %arg2: memref<128x16xf32, #tpu.memory_space<vmem>>, %arg3: memref<1x16xf32, #tpu.memory_space<vmem>>, %arg4: memref<128x16xf32, #tpu.memory_space<vmem>>) attributes {dimension_semantics = [#tpu.dimension_semantics<arbitrary>], iteration_bounds = array<i64: 79>, scalar_prefetch = 0 : i64, scratch_operands = 0 : i64, tpu.core_type = #tpu.core_type<tc>, window_params = [{transform_indices = @transform_0, window_bounds = array<i64: 128, 16>}, {transform_indices = @transform_1, window_bounds = array<i64: 128, 16>}, {pipeline_mode = #tpu.pipeline_mode<synchronous>, transform_indices = @transform_2, window_bounds = array<i64: 1, 16>}, {transform_indices = @transform_3, window_bounds = array<i64: 128, 16>}]} {
    %get3A = arith.constant 0 : index
    %get3A_0 = arith.constant 0 : index
    %get3A_1 = vector.load %arg1[%get3A, %get3A_0] : memref<128x16xf32, #tpu.memory_space<vmem>>, vector<128x16xf32>
    %get3A_2 = arith.constant 0 : index
    %get3A_3 = arith.constant 0 : index
    %get3A_4 = vector.load %arg2[%get3A_2, %get3A_3] : memref<128x16xf32, #tpu.memory_space<vmem>>, vector<128x16xf32>
    %add3A = arith.addf %get3A_1, %get3A_4 : vector<128x16xf32>
    %slice3A = vector.extract_strided_slice %add3A {offsets = [0, 3], sizes = [128, 1], strides = [1, 1]} : vector<128x16xf32> to vector<128x1xf32>
    %broadcast_in_dim3A = vector.shape_cast %slice3A : vector<128x1xf32> to vector<128x1xf32>
    %broadcast_in_dim3A_5 = vector.broadcast %broadcast_in_dim3A : vector<128x1xf32> to vector<128x16xf32>
    %div3A = arith.divf %add3A, %broadcast_in_dim3A_5 : vector<128x16xf32>
    %get3A_6 = arith.constant 0 : index
    %get3A_7 = arith.constant 0 : index
    %get3A_8 = vector.load %arg3[%get3A_6, %get3A_7] : memref<1x16xf32, #tpu.memory_space<vmem>>, vector<1x16xf32>
    %add3A_9 = vector.broadcast %get3A_8 : vector<1x16xf32> to vector<128x16xf32>
    %add3A_10 = arith.addf %div3A, %add3A_9 : vector<128x16xf32>
    %slice3A_11 = vector.extract_strided_slice %add3A_10 {offsets = [0, 0], sizes = [128, 1], strides = [1, 1]} : vector<128x16xf32> to vector<128x1xf32>
    %slice3A_12 = vector.extract_strided_slice %add3A_10 {offsets = [0, 1], sizes = [128, 1], strides = [1, 1]} : vector<128x16xf32> to vector<128x1xf32>
    %max3A = arith.maximumf %slice3A_11, %slice3A_12 : vector<128x1xf32>
    %sub3A = arith.subf %slice3A_11, %max3A : vector<128x1xf32>
    %exp3A = math.exp %sub3A : vector<128x1xf32>
    %sub3A_13 = arith.subf %slice3A_12, %max3A : vector<128x1xf32>
    %exp3A_14 = math.exp %sub3A_13 : vector<128x1xf32>
    %add3A_15 = arith.addf %exp3A, %exp3A_14 : vector<128x1xf32>
    %log3A = math.log %add3A_15 : vector<128x1xf32>
    %add3A_16 = arith.addf %max3A, %log3A : vector<128x1xf32>
    %broadcast_in_dim3A_17 = vector.shape_cast %add3A_16 : vector<128x1xf32> to vector<128x1xf32>
    %broadcast_in_dim3A_18 = vector.broadcast %broadcast_in_dim3A_17 : vector<128x1xf32> to vector<128x16xf32>
    %sub3A_19 = arith.subf %add3A_10, %broadcast_in_dim3A_18 : vector<128x16xf32>
    %swap3A = arith.constant 0 : index
    %swap3A_20 = arith.constant 0 : index
    %swap3A_21 = vector.load %arg4[%swap3A, %swap3A_20] : memref<128x16xf32, #tpu.memory_space<vmem>>, vector<128x16xf32>
    tpu.vector_store %arg4[%swap3A, %swap3A_20], %sub3A_19 {strides = array<i32>} : memref<128x16xf32, #tpu.memory_space<vmem>>, vector<128x16xf32>,
    return
  }
  func.func @transform_0(%arg0: i32) -> (i32, i32) {
    %c0_i32 = arith.constant 0 : i32
    %c0_i32_0 = arith.constant 0 : i32
    return %arg0, %c0_i32 : i32, i32
  }
  func.func @transform_1(%arg0: i32) -> (i32, i32) {
    %c0_i32 = arith.constant 0 : i32
    %c0_i32_0 = arith.constant 0 : i32
    return %arg0, %c0_i32 : i32, i32
  }
  func.func @transform_2(%arg0: i32) -> (i32, i32) {
    %c0_i32 = arith.constant 0 : i32
    %c0_i32_0 = arith.constant 0 : i32
    %c0_i32_1 = arith.constant 0 : i32
    return %c0_i32, %c0_i32_0 : i32, i32
  }
  func.func @transform_3(%arg0: i32) -> (i32, i32) {
    %c0_i32 = arith.constant 0 : i32
    %c0_i32_0 = arith.constant 0 : i32
    return %arg0, %c0_i32 : i32, i32
  }
}

</mosaic_0001>

<sc_bundles>
// kernel: kernel.10.cloned.1.call-start
scs
__scs_entry_jumppad:
0x0: {  	(pc) =	sbr.rel $0x88, $3  }
0x1: {  	(tag) =	ssettag $0x0;
	lr =	simm.s32 $0x1  }
0x2: {  	[smem:$0x3F97] =	sst lr;
	_ =	strace $0xD0000000  }
0x3: {  	_ = 	snop  }
0x4: {  	_ = 	snop  }
0x5: {  	_ = 	snop  }
0x6: {  	_ = 	snop  }
0x7: {  	_ = 	snop  }
__scs_overlays_trampoline_lowered:
0x8: {  	[smem:$0x3FA6] =	sst s0  }
0x9: {  	[smem:$0x3FA7] =	sst s1  }
0xa: {  	[smem:$0x3FA8] =	sst s2  }
0xb: {  	[smem:$0x3FA9] =	sst s3  }
0xc: {  	[smem:$0x3FAA] =	sst s4  }
0xd: {  	[smem:$0x3FAB] =	sst s5  }
0xe: {  	[smem:$0x3FAC] =	sst s6  }
0xf: {  	[smem:$0x3FAD] =	sst s7  }
0x10: {  	[smem:$0x3FAE] =	sst s8  }
0x11: {  	[smem:$0x3FAF] =	sst s9;
	s0 =	simm.s32 @!p0 $0x0  }
0x12: {  	s1 =	sld [smem:$0x3F95];
	s0 =	simm.s32 @p0 $0x1  }
0x13: {  	[smem:$0x3FB0] =	sst s0;
	s0 =	simm.s32 @!p1 $0x0  }
0x14: {  	s2 =	sld [smem:$0x3F94];
	s0 =	simm.s32 @p1 $0x1  }
0x15: {  	[smem:$0x3FB1] =	sst s0;
	s0 =	simm.s32 @!p2 $0x0  }
0x16: {  	s3 =	sld [smem:$0x3FDB];
	s0 =	simm.s32 @p2 $0x1  }
0x17: {  	s4 =	simm.s32 $0x1BF5;
	[smem:$0x3FB3] =	sst s0  }
0x18: {  	s0 =	sld [smem:$0x3F96];
	_ =	swait.ge [sflag:s4], $0x0  }
0x19: {  	s7 =	sld [smem:$0x3F97]  }
0x1a: {  	s8 =	sadd.s32 $0xFFFFE003, lr  }
0x1b: {  	s9 =	sadd.s32 $0xFFFFFEF7, lr;
	s5 =	simm.s32 $0xFFFFFFFF;
	p2 =	slt.u32 s8, $0xFFFFF086  }
0x1c: {  	p1 =	slt.u32 s9, $0xF7A;
	s5 =	simm.s32 @!p2 $0x0  }
0x1d: {  	s5 =	simm.s32 @p1 $0x1;
	p0 =	seq.s32 s7, s2  }
0x1e: {  	s7 =	smul.u32 @!p0 $0xF7A, s2;
	p2 =	seq.s32 @!p0 s5, $0x0  }
0x1f: {  	s9 =	smul.u32 $0xF7A, s1;
	s8 =	simm.s32 @!p0 $0x1BF5;
	p2 =	por !p2, p0  }
0x20: {  	[sflag:s8] =	ssyncset.s32 @!p0 $0xFFFFF086;
	s6 =	sadd.s32 @!p0 s3, s7;
	s7 =	simm.s32 @!p0 $0x108  }
0x21: {  	s3 =	sadd.s32 s3, s9;
	s6 =	sadd.s32 @!p0 $0x88, s6;
	s7 =	simm.s32 @p2 $0x1082  }
0x22: {  	[simem:s7], [sflag:s8] =	dma.local @!p0 [hbm:s6], $0xF7A  }
0x23: {  	s9 =	sor.u32 $0xD0000000, s2;
	s6 =	simm.s32 $0x108;
	_ =	swait.ge @!p0 [sflag:s8], $0x0  }
0x24: {  	s3 =	sadd.s32 $0x88, s3;
	s6 =	simm.s32 @!p1 $0x1082;
	[sflag:s4] =	ssyncset.s32 $0xFFFFF086  }
0x25: {  	[simem:s6], [sflag:s4] =	dma.local [hbm:s3], $0xF7A  }
0x26: {  	[smem:$0x3F97] =	sst s1;
	(tag) =	ssettag s2;
	_ =	strace s9  }
0x27: {  	s1 =	sld [smem:$0x3FA7]  }
0x28: {  	s2 =	sld [smem:$0x3FA8]  }
0x29: {  	s4 =	sld [smem:$0x3FAA]  }
0x2a: {  	p0 =	seq.s32 s5, $0x0;
	s5 =	sld [smem:$0x3FAB]  }
0x2b: {  	s6 =	sld [smem:$0x3FAC]  }
0x2c: {  	s7 =	sld [smem:$0x3FAD]  }
0x2d: {  	s3 =	simm.s32 $0x108;
	s8 =	sld [smem:$0x3FAE]  }
0x2e: {  	s3 =	simm.s32 @!p0 $0x1082;
	s9 =	sld [smem:$0x3FAF]  }
0x2f: {  	lr =	sadd.s32 s0, s3;
	s0 =	sld [smem:$0x3FA6]  }
0x30: {  	s3 =	sld [smem:$0x3FA9]  }
0x31: {  	[smem:$0x3FB2] =	sst s10  }
0x32: {  	s10 =	sld [smem:$0x3FB0];
	_ =	sdelay $0x3  }
0x33: {  	p0 =	seq.s32 s10, $0x1;
	s10 =	sld [smem:$0x3FB2];
	_ =	sdelay $0x3  }
0x34: {  	[smem:$0x3FB2] =	sst s10  }
0x35: {  	s10 =	sld [smem:$0x3FB1];
	_ =	sdelay $0x3  }
0x36: {  	p1 =	seq.s32 s10, $0x1;
	s10 =	sld [smem:$0x3FB2];
	_ =	sdelay $0x3  }
0x37: {  	[smem:$0x3FB2] =	sst s10  }
0x38: {  	s10 =	sld [smem:$0x3FB3]  }
0x39: {  	_ = 	snop;
	(pc) =	sbr.ind lr, $3  }
0x3a: {  	_ = 	snop  }
0x3b: {  	_ = 	snop  }
0x3c: {  	p2 =	seq.s32 s10, $0x1;
	s10 =	sld [smem:$0x3FB2]  }
0x3d: {  	_ =	shalt  }
0x3e: {  	_ =	shalt  }
0x3f: {  	_ =	shalt  }
0x40: {  	_ =	shalt  }
0x41: {  	_ =	shalt  }
0x42: {  	_ =	shalt  }
0x43: {  	_ =	shalt  }
0x44: {  	_ =	shalt  }
0x45: {  	_ =	shalt  }
0x46: {  	_ =	shalt  }
0x47: {  	_ =	shalt  }
0x48: {  	_ =	shalt  }
0x49: {  	_ =	shalt  }
0x4a: {  	_ =	shalt  }
0x4b: {  	_ =	shalt  }
0x4c: {  	_ =	shalt  }
0x4d: {  	_ =	shalt  }
0x4e: {  	_ =	shalt  }
0x4f: {  	_ =	shalt  }
0x50: {  	_ =	shalt  }
0x51: {  	_ =	shalt  }
0x52: {  	_ =	shalt  }
0x53: {  	_ =	shalt  }
0x54: {  	_ =	shalt  }
0x55: {  	_ =	shalt  }
0x56: {  	_ =	shalt  }
0x57: {  	_ =	shalt  }
0x58: {  	_ =	shalt  }
0x59: {  	_ =	shalt  }
0x5a: {  	_ =	shalt  }
0x5b: {  	_ =	shalt  }
0x5c: {  	_ =	shalt  }
0x5d: {  	_ =	shalt  }
0x5e: {  	_ =	shalt  }
0x5f: {  	_ =	shalt  }
0x60: {  	_ =	shalt  }
0x61: {  	_ =	shalt  }
0x62: {  	_ =	shalt  }
0x63: {  	_ =	shalt  }
0x64: {  	_ =	shalt  }
0x65: {  	_ =	shalt  }
0x66: {  	_ =	shalt  }
0x67: {  	_ =	shalt  }
0x68: {  	_ =	shalt  }
0x69: {  	_ =	shalt  }
0x6a: {  	_ =	shalt  }
0x6b: {  	_ =	shalt  }
0x6c: {  	_ =	shalt  }
0x6d: {  	_ =	shalt  }
0x6e: {  	_ =	shalt  }
0x6f: {  	_ =	shalt  }
0x70: {  	_ =	shalt  }
0x71: {  	_ =	shalt  }
0x72: {  	_ =	shalt  }
0x73: {  	_ =	shalt  }
0x74: {  	_ =	shalt  }
0x75: {  	_ =	shalt  }
0x76: {  	_ =	shalt  }
0x77: {  	_ =	shalt  }
0x78: {  	_ =	shalt  }
0x79: {  	_ =	shalt  }
0x7a: {  	_ =	shalt  }
0x7b: {  	_ =	shalt  }
0x7c: {  	_ =	shalt  }
0x7d: {  	_ =	shalt  }
0x7e: {  	_ =	shalt  }
0x7f: {  	_ =	shalt  }
0x80: {  	_ =	shalt  }
0x81: {  	_ =	shalt  }
0x82: {  	_ =	shalt  }
0x83: {  	_ =	shalt  }
0x84: {  	_ =	shalt  }
0x85: {  	_ =	shalt  }
0x86: {  	_ =	shalt  }
0x87: {  	_ =	shalt  }
.Lfunc_end0:
.L_simem_size_0:
called_computation.1_lowered:
.L_overlay_start_0:
0x88: {  	s2 =	sld [smem:$0x3FD9]  }
0x89: {  	s3 =	sld [smem:$0x3FFE];
	_ =	sdelay $0x1  }
0x8a: {  	s1 =	srdreg.scid  }
0x8b: {  	s0 =	sand.u32 $0x1, s1  }
0x8c: {  	s16 =	sshll.u32 s0, $0xA;
	s2 =	sadd.s32 s3, s2  }
0x8d: {  	s2 =	sadd.s32 s2, s16  }
0x8e: {  	[smem:$0x3FBE] =	sst s2  }
0x8f: {  	_ = 	snop  }
0x90: {  	(tm) =	ssettm $0x1  }
0x91: {  	s17 =	sld [smem:$0x3FFB];
	_ =	sdelay $0x3  }
0x92: {  	_ =	strace s17  }
0x93: {  	s2 =	sld [smem:$0x3FFC];
	_ =	sdelay $0x3  }
0x94: {  	_ =	strace s2  }
0x95: {  	s2 =	sld [smem:$0x3FFD];
	_ =	sdelay $0x3  }
0x96: {  	_ =	strace s2  }
0x97: {  	_ =	strace $0x8FFFFFFF  }
0x98: {  	s18 =	sld [smem:$0x3FDB];
	_ =	sdelay $0x1  }
0x99: {  	s19 =	simm.s32 $_scs_section_size  }
0x9a: {  	s4 =	simm.s32 $_size__tile_overlayer_lowered;
	s5 =	simm.s32 $_tile_overlayer_lowered  }
0x9b: {  	s22 =	simm.s32 $0x1BFF;
	s21 =	sshll.u32 s5, $0x1;
	s2 =	sadd.s32 s19, s18  }
0x9c: {  	s6 =	simm.s32 $0x0;
	s20 =	sshll.u32 s4, $0x1;
	s4 =	sadd.s32 s21, s2  }
0x9d: {  	[timem:s6], [sflag:s22] =	dma.local [hbm:s4], s20  }
0x9e: {  	_ =	swait.ge [sflag:s22], s20  }
0x9f: {  	s3 =	ssub.s32 $0x0, s20;
	[sflag:s22] =	ssyncset.done $0x0  }
0xa0: {  	[sflag:s22] =	ssyncadd.s32 s3;
	_ =	sdelay $0x1  }
0xa1: {  	s23 =	simm.s32 $0x1B8B  }
0xa2: {  	_ =	swait.ge [sflag:s23], $0x1  }
0xa3: {  	[sflag:s23] =	ssyncset.done $0x0  }
0xa4: {  	s25 =	simm.s32 $0x1B8E;
	s24 =	sld [smem:$0x3FFE];
	[sflag:s23] =	ssyncadd.s32 $0xFFFFFFFF  }
0xa5: {  	s26 =	simm.s32 $execute0_lowered;
	[smem:$0x3FD2] =	sst s25  }
0xa6: {  	s4 =	sshll.u32 s26, $0x1;
	_ =	strace $0x80000049;
	[dreg:$0x1] =	wrdreg $0xFFFFFFFF  }
0xa7: {  	s28 =	simm.s32 $_size_execute0_lowered;
	s2 =	sadd.s32 s2, s4;
	[dreg:$0x0] =	wrdreg $0x0  }
0xa8: {  	s4 =	sshll.u32 s28, $0x1;
	[dreg:$0x2] =	wrdreg s2  }
0xa9: {  	[dreg:$0x3] =	wrdreg s4  }
0xaa: {  	[dreg:$0x4] =	wrdreg $0xC0  }
0xab: {  	_ =	task [dreg:s6], $0x5FFFF  }
0xac: {  	[dreg:$0x1] =	wrdreg $0xFFFFFFFF  }
0xad: {  	[dreg:$0x0] =	wrdreg $0x60  }
0xae: {  	[dreg:$0x2] =	wrdreg s24  }
0xaf: {  	[dreg:$0x3] =	wrdreg $0x10800  }
0xb0: {  	[dreg:$0x4] =	wrdreg $0x9  }
0xb1: {  	_ =	task.clear_ibuf [dreg:s6], $0x5FFFF;
	_ =	strace $0x90000049  }
0xb2: {  	s29 =	simm.s32 $0x9;
	_ =	strace $0x8000004B  }
0xb3: {  	_ =	swait.ge [sflag:s29], $0x1  }
0xb4: {  	[sflag:s29] =	ssyncadd.s32 $0xFFFFFFFF  }
0xb5: {  	_ =	strace $0x9000004B  }
0xb6: {  	_ =	sfence  }
0xb7: {  	s30 =	sld [smem:$0x0];
	_ =	sdelay $0x2  }
0xb8: {  	s31 =	sshll.u32 s1, $0xD;
	s1 =	sshrl.u32 s1, $0x2  }
0xb9: {  	s3 =	sand.u32 $0x4000, s31;
	s1 =	sadd.s32 s1, s30  }
0xba: {  	s0 =	sor.u32 s3, s0;
	s1 =	sshll.u32 s1, $0x11  }
0xbb: {  	s0 =	sor.u32 s1, s0  }
0xbc: {  	s0 =	sadd.s32 $0x8F2B, s0  }
0xbd: {  	[sflag:s0] =	ssyncadd.remote.s32 $0x1  }
0xbe: {  	_ =	sfence.sel $0xFFFF  }
0xbf: {  	[dreg:$0x0] =	wrdreg $0xFFFFFFFF;
	(pc) =	sbr.abs _section_cstart, $3  }
0xc0: {  	[dreg:$0x1] =	wrdreg $0xFFFFFFFF  }
0xc1: {  	_ =	task.clear_ibuf [dreg:s6], $0x2FFFF;
	_ =	strace $0x9FFFFFFF  }
0xc2: {  	(tm) =	ssettm $0x7FFFFFFF  }
0xc3: {  	_ =	shalt  }
tec
execute0_lowered:
.L_overlay_start_1:
0x0: {  	(tag) =	ssettag $0x1  }
0x1: {  	s8 =	rddreg [dreg:$0x0]  }
0x2: {  	s1 =	rddreg [dreg:$0x1];
	s2 =	simm.s32 $0x0  }
0x3: {  	s4 =	srdreg.scid;
	s14 =	simm.s32 $0x480;
	s15 =	simm.s32 $0x1  }
0x4: {  	s16 =	simm.s32 $0x2;
	s17 =	simm.s32 $0x880;
	[smem:$0x7FF] =	sst s2  }
0x5: {  	s3 =	sadd.s32 $0x6A00, s8;
	s7 =	sand.u32 $0x1, s4;
	s5 =	sadd.s32 $0x1A00, s8  }
0x6: {  	s6 =	sadd.s32 $0x3D400, s8;
	s4 =	stileid.u32;
	_ =	strace $0x8000004A  }
0x7: {  	s9 =	smul.u32 $0x4F00, s7;
	s10 =	ssub.s32 $0x2, s7;
	s11 =	sshll.u32 s7, $0x4  }
0x8: {  	s7 =	sadd.s32 $0x33200, s8;
	s12 =	sshrl.u32 s10, $0x1;
	s11 =	sor.u32 s4, s11  }
0x9: {  	s13 =	sadd.s32 s9, s8;
	s31 =	ssub.s32 s10, s12;
	s8 =	smul.u32 $0xA2, s11  }
0xa: {  	v1 =	vimm.f32 $1.000000000e+00;
	vm0 =	vcmask $0xB08;
	s11 =	simm.s32 $0x3;
	s12 =	simm.s32 $0x40;
	s0 =	smax.u32 s31, $0x1  }
0xb: {  	v0 =	vimm.f32 $0.0e+00;
	v1 =	vsel vm0, $0x0, v1;
	s10 =	sadd.s32 $0xBA00, s13;
	s13 =	simm.s32 $0x80;
	[dreg:$0x3] =	wrdreg s0  }
.LBB2_1:
0xc: {  	s18 =	simm.s32 $0x0  }
.LBB2_2:
0xd: {  	p0 =	sne.s32 s18, $0xFC0  }
.Ltmp0:
0xe: {  	_ = 	snop;
	(pc) =	sbr.rel @p0 .LBB2_2-.Ltmp0, $3  }
0xf: {  	_ =	sdelay $0x1  }
0x10: {  	s19 =	sshra.s32 s18, $0x2  }
0x11: {  	s18 =	sadd.s32 $0x40, s18;
	[tilespmem:s19+$0xC80] =	vst v0  }
0x12: {  	s18 =	simm.s32 $0x0  }
0x13: {  	s18 =	sand.u32 $0xF, s18  }
0x14: {  	p0 =	sne.s32 s18, s4  }
0x15: {  	s18 =	simm.s32 @!p0 $0xC80;
	s21 =	simm.s32 @!p0 $0x3  }
0x16: {  	[spmem:s1] =	stream.linear.scatter @!p0 [tilespmem:s18], [sflag:$0x3], $0x400, $0x38;
	[tilespmem:$0x3800] =	vst v63  }
0x17: {  	s19 =	simm.s32 $0x1;
	_ =	swait.ge @!p0 [sflag:s21], $0x400  }
0x18: {  	s20 =	simm.s32 $0x2;
	s18 =	sadd.s32 $0x400, s1;
	[sflag:s21] =	ssyncset.done @!p0 $0x0  }
.LBB2_4:
0x19: {  	s22 =	sand.u32 $0xF, s19;
	s19 =	smov.u32 s20;
	s20 =	sadd.s32 $0x1, s20  }
0x1a: {  	[sflag:s21] =	ssyncadd.s32 @!p0 $0xFFFFFC00;
	p1 =	sne.s32 s20, $0x9E  }
.Ltmp1:
0x1b: {  	p0 =	sne.s32 s22, s4;
	(pc) =	sbr.rel @p1 .LBB2_4-.Ltmp1, $4  }
0x1c: {  	s22 =	simm.s32 @!p0 $0xC80;
	s21 =	simm.s32 @!p0 $0x3  }
0x1d: {  	[spmem:s18] =	stream.linear.scatter @!p0 [tilespmem:s22], [sflag:$0x3], $0x400, $0x38;
	[tilespmem:$0x3800] =	vst v63  }
0x1e: {  	_ =	swait.ge @!p0 [sflag:s21], $0x400  }
0x1f: {  	s18 =	sadd.s32 $0x400, s18;
	[sflag:s21] =	ssyncset.done @!p0 $0x0  }
0x20: {  	s19 =	sand.u32 $0xF, s19  }
0x21: {  	p1 =	sne.s32 s19, s4  }
0x22: {  	[sflag:s21] =	ssyncadd.s32 @!p0 $0xFFFFFC00;
	s19 =	simm.s32 @!p1 $0xC80;
	s20 =	simm.s32 @!p1 $0x3  }
0x23: {  	[spmem:s18] =	stream.linear.scatter @!p1 [tilespmem:s19], [sflag:$0x3], $0x400, $0x38;
	[tilespmem:$0x3800] =	vst v63  }
0x24: {  	_ =	swait.ge @!p1 [sflag:s20], $0x400  }
0x25: {  	[sflag:s20] =	ssyncset.done @!p1 $0x0  }
0x26: {  	[sflag:s20] =	ssyncadd.s32 @!p1 $0xFFFFFC00  }
0x27: {  	s18 =	simm.s32 $0x0;
	s19 =	simm.s32 $0x0;
	[bflag:$0x0] =	sbarrier.arrive $0xFFFF  }
.LBB2_6:
0x28: {  	s20 =	sadd.s32 s8, s19  }
0x29: {  	s20 =	sshll.u32 s20, $0x3  }
0x2a: {  	s21 =	sadd.s32 s6, s20  }
0x2b: {  	[tilespmem:s18], [sflag:$0x3] =	stream.linear.gather [hbm4b:s21+s18], $0x40, $0x38;
	[tilespmem:$0x3800] =	vst v63  }
0x2c: {  	_ =	swait.ge [sflag:s11], $0x40  }
0x2d: {  	[sflag:s11] =	ssyncset.done $0x0  }
0x2e: {  	s20 =	sadd.s32 s7, s20;
	[sflag:s11] =	ssyncadd.s32 $0xFFFFFFC0  }
0x2f: {  	[tilespmem:s12], [sflag:$0x3] =	stream.linear.gather [hbm4b:s20+s18], $0x40, $0x38;
	[tilespmem:$0x3800] =	vst v63  }
0x30: {  	_ =	swait.ge [sflag:s11], $0x40  }
0x31: {  	[sflag:s11] =	ssyncset.done $0x0  }
0x32: {  	[sflag:s11] =	ssyncadd.s32 $0xFFFFFFC0  }
0x33: {  	[tilespmem:s13], [sflag:$0x1] =	stream.indirect.gather [hbm4b:s3+s12], $0x10, s18, s12, $0xb8;
	[tilespmem:$0x3800] =	vst v63  }
0x34: {  	_ = 	snop  }
0x35: {  	[tilespmem:s14], [sflag:$0x2] =	stream.indirect.gather [hbm4b:s5+s12], $0x10, s12, s12, $0xb8;
	[tilespmem:$0x3800] =	vst v63  }
0x36: {  	_ =	swait.ge [sflag:s15], $0x400  }
0x37: {  	[sflag:s15] =	ssyncset.done $0x0  }
0x38: {  	[sflag:s15] =	ssyncadd.s32 $0xFFFFFC00  }
0x39: {  	_ =	swait.ge [sflag:s16], $0x400  }
0x3a: {  	[sflag:s16] =	ssyncset.done $0x0  }
0x3b: {  	s20 =	simm.s32 $0x0;
	[sflag:s16] =	ssyncadd.s32 $0xFFFFFC00  }
0x3c: {  	v2 =	vld [tilespmem:s20+$0x80]  }
0x3d: {  	v3 =	vld [tilespmem:s20+$0x480];
	_ =	sdelay $0x3  }
0x3e: {  	(v2sf) =	vpush v2, $0x2  }
0x3f: {  	(v2sf) =	vpush v3, $0x2;
	_ =	sdelay $0x3  }
0x40: {  	s21 =	simm.s32 $0x10  }
0x41: {  	v3 =	vld [tilespmem:s21+$0x80]  }
0x42: {  	s23 =	simm.s32 $0x20;
	v5 =	vld [tilespmem:s21+$0x480]  }
0x43: {  	v4 =	vld [tilespmem:s23+$0x80]  }
0x44: {  	v6 =	vld [tilespmem:s23+$0x480];
	_ =	sdelay $0x1  }
0x45: {  	(v2sf) =	vpush v3, $0x2  }
0x46: {  	s22 =	simm.s32 $0x30;
	(v2sf) =	vpush v5, $0x2  }
0x47: {  	v5 =	vld [tilespmem:s22+$0x80];
	(v2sf) =	vpush v4, $0x2  }
0x48: {  	(v2sf) =	vpush v6, $0x2;
	v6 =	vld [tilespmem:s22+$0x480]  }
0x49: {  	s24 =	spop (v2sf)  }
0x4a: {  	s25 =	spop (v2sf)  }
0x4b: {  	s24 =	sadd.f32 s25, s24  }
0x4c: {  	(v2sf) =	vpush v5, $0x2  }
0x4d: {  	(v2sf) =	vpush v6, $0x2;
	v6 =	vmov s24  }
0x4e: {  	v6 =	vmul.f32 $2.000000030e-01, v6;
	_ =	sdelay $0x1  }
0x4f: {  	v6 =	vmax.f32 v6, s24  }
0x50: {  	v6 =	vmul.f32 $1.442695020e+00, v6  }
0x51: {  	s24 =	simm.s32 $0x40  }
0x52: {  	(erf) = vpow2.f32 v6;
	v6 =	vld [tilespmem:s24+$0x80]  }
0x53: {  	s25 =	simm.s32 $0x50;
	v8 =	vld [tilespmem:s24+$0x480]  }
0x54: {  	v7 =	vld [tilespmem:s25+$0x80]  }
0x55: {  	v10 =	vld [tilespmem:s25+$0x480]  }
0x56: {  	s31 =	spop (v2sf)  }
0x57: {  	s26 =	spop (v2sf);
	(v2sf) =	vpush v6, $0x2  }
0x58: {  	s26 =	sadd.f32 s26, s31;
	(v2sf) =	vpush v8, $0x2  }
0x59: {  	(v2sf) =	vpush v7, $0x2  }
0x5a: {  	v9 =	vmov s26;
	(v2sf) =	vpush v10, $0x2  }
0x5b: {  	s28 =	spop (v2sf);
	v9 =	vmul.f32 $2.000000030e-01, v9  }
0x5c: {  	s29 =	spop (v2sf)  }
0x5d: {  	s31 =	sadd.f32 s29, s28;
	v9 =	vmax.f32 v9, s26  }
0x5e: {  	s26 =	simm.s32 $0x60;
	v9 =	vmul.f32 $1.442695020e+00, v9  }
0x5f: {  	v11 =	vmov s31;
	v8 =	vld [tilespmem:s26+$0x80]  }
0x60: {  	v11 =	vmul.f32 $2.000000030e-01, v11;
	(erf) = vpow2.f32 v9;
	v10 =	vld [tilespmem:s26+$0x480]  }
0x61: {  	s29 =	spop (v2sf)  }
0x62: {  	s28 =	simm.s32 $0x1C0;
	s30 =	spop (v2sf);
	v11 =	vmax.f32 v11, s31;
	v9 =	vpop (erf)  }
.LBB2_7:
0x63: {  	s31 =	sshra.s32 s28, $0x2  }
0x64: {  	(v2sf) =	vpush v8, $0x2;
	s0 =	sadd.f32 s30, s29;
	v11 =	vmul.f32 $1.442695020e+00, v11;
	v9 =	vmul.f32 v9, v2;
	v2 =	vmovc v3;
	v3 =	vmovc v4;
	s9 =	smov.u32 s25;
	p0 =	sne.s32 s28, $0xFC0  }
.Ltmp2:
0x65: {  	v4 =	vmovc v5;
	v5 =	vmovc v6;
	v6 =	vmov v7;
	v7 =	vmov v8;
	s25 =	smov.u32 s26;
	(v2sf) =	vpush v10, $0x2;
	v8 =	vld [tilespmem:s31+$0x80];
	s26 =	smov.u32 s31;
	(pc) =	sbr.rel @p0 .LBB2_7-.Ltmp2, $4  }
0x66: {  	s28 =	sadd.s32 $0x40, s28;
	v10 =	vld [tilespmem:s26+$0x480];
	v12 =	vmov s0;
	(erf) = vpow2.f32 v11;
	v13 =	vmul.f32 v1, v9  }
0x67: {  	s29 =	spop (v2sf);
	v11 =	vmul.f32 $2.000000030e-01, v12  }
0x68: {  	s30 =	spop (v2sf);
	[tilespmem:s20+$0x880] =	vst v13;
	s20 =	smov.u32 s21;
	s21 =	smov.u32 s23  }
0x69: {  	s23 =	smov.u32 s22;
	s22 =	smov.u32 s24;
	s24 =	smov.u32 s9;
	v11 =	vmax.f32 v11, s0;
	v9 =	vpop (erf)  }
0x6a: {  	(v2sf) =	vpush v8, $0x2  }
0x6b: {  	(v2sf) =	vpush v10, $0x2;
	_ =	sdelay $0x9  }
0x6c: {  	s0 =	spop (v2sf)  }
0x6d: {  	s9 =	spop (v2sf)  }
0x6e: {  	s28 =	sadd.f32 s30, s29;
	s29 =	spop (v2sf)  }
0x6f: {  	s31 =	spop (v2sf)  }
0x70: {  	s0 =	sadd.f32 s9, s0;
	s9 =	spop (v2sf)  }
0x71: {  	v49 =	vmov s28;
	s29 =	sadd.f32 s31, s29;
	s31 =	spop (v2sf)  }
0x72: {  	v10 =	vmul.f32 $2.000000030e-01, v49;
	v12 =	vmov s0;
	s9 =	sadd.f32 s31, s9  }
0x73: {  	v11 =	vmul.f32 $1.442695020e+00, v11;
	v12 =	vmul.f32 $2.000000030e-01, v12;
	v13 =	vmov s29  }
0x74: {  	v10 =	vmax.f32 v10, s28;
	v13 =	vmul.f32 $2.000000030e-01, v13;
	v14 =	vmov s9  }
0x75: {  	v10 =	vmul.f32 $1.442695020e+00, v10;
	v12 =	vmax.f32 v12, s0;
	v14 =	vmul.f32 $2.000000030e-01, v14  }
0x76: {  	(erf) = vpow2.f32 v11;
	v50 =	vmul.f32 $1.442695020e+00, v12;
	v51 =	vmax.f32 v13, s29  }
0x77: {  	(erf) = vpow2.f32 v10;
	v52 =	vmul.f32 $1.442695020e+00, v51;
	v53 =	vmax.f32 v14, s9  }
0x78: {  	(erf) = vpow2.f32 v50;
	v54 =	vmul.f32 $1.442695020e+00, v53  }
0x79: {  	(erf) = vpow2.f32 v52  }
0x7a: {  	(erf) = vpow2.f32 v54;
	_ =	sdelay $0x3  }
0x7b: {  	v2 =	vmul.f32 v9, v2;
	v55 =	vpop (erf)  }
0x7c: {  	v3 =	vmul.f32 v55, v3;
	v56 =	vpop (erf)  }
0x7d: {  	v2 =	vmul.f32 v1, v2;
	v4 =	vmul.f32 v56, v4;
	v57 =	vpop (erf)  }
0x7e: {  	v3 =	vmul.f32 v1, v3;
	v5 =	vmul.f32 v57, v5;
	v58 =	vpop (erf)  }
0x7f: {  	[tilespmem:s20+$0x880] =	vst v2;
	v2 =	vmul.f32 v1, v4;
	v59 =	vmul.f32 v58, v6;
	v60 =	vpop (erf)  }
0x80: {  	[tilespmem:s21+$0x880] =	vst v3;
	v3 =	vmul.f32 v1, v5;
	v61 =	vmul.f32 v60, v7;
	v62 =	vpop (erf)  }
0x81: {  	[tilespmem:s23+$0x880] =	vst v2;
	v2 =	vmul.f32 v1, v59;
	v63 =	vmul.f32 v62, v8  }
0x82: {  	[tilespmem:s22+$0x880] =	vst v3;
	v3 =	vmul.f32 v1, v61  }
0x83: {  	s19 =	sadd.s32 $0x1, s19;
	[tilespmem:s24+$0x880] =	vst v2;
	v2 =	vmul.f32 v1, v63  }
0x84: {  	p0 =	sne.s32 s19, $0xA2;
	[tilespmem:s25+$0x880] =	vst v3  }
.Ltmp3:
0x85: {  	[tilespmem:s26+$0x880] =	vst v2;
	(pc) =	sbr.rel @p0 .LBB2_6-.Ltmp3, $4  }
0x86: {  	[spmem:s1] =	stream.indirect.scatter.add.f32 [tilespmem:s17], [sflag:$0x3], $0x10, s12, s12, $0xb8;
	[tilespmem:$0x3800] =	vst v63  }
0x87: {  	_ =	swait.ge [sflag:s11], $0x400  }
0x88: {  	[sflag:s11] =	ssyncset.done $0x0  }
0x89: {  	[sflag:s11] =	ssyncadd.s32 $0xFFFFFC00  }
0x8a: {  	s0 =	simm.s32 $0x0  }
0x8b: {  	s0 =	sand.u32 $0xF, s0  }
0x8c: {  	p0 =	sne.s32 s0, s4  }
0x8d: {  	[bflag:$0x0] =	sbarrier.arrive $0xFFFF;
	s31 =	simm.s32 $0x1;
	s9 =	sshll.u32 @!p0 s4, $0x6  }
0x8e: {  	s18 =	sshrl.u32 @!p0 s1, $0x3;
	s21 =	simm.s32 @!p0 $0x3;
	s9 =	sor.u32 @!p0 $0x1C03, s9  }
0x8f: {  	[hbm:s10], [sflag:s9] =	dma.local @!p0 [spmem:s18], $0x80  }
0x90: {  	s19 =	simm.s32 $0x2;
	s20 =	sadd.s32 $0x400, s1;
	_ =	swait.ge @!p0 [sflag:s21], $0x80  }
0x91: {  	s22 =	sand.u32 $0xF, s31;
	s18 =	sadd.s32 $0x80, s10;
	[sflag:s21] =	ssyncset.done @!p0 $0x0  }
.LBB2_10:
0x92: {  	s0 =	smov.u32 s19;
	s19 =	sadd.s32 $0x1, s19  }
0x93: {  	[sflag:s21] =	ssyncadd.s32 @!p0 $0xFFFFFF80;
	p0 =	sne.s32 s22, s4;
	p1 =	sne.s32 s19, $0x9E  }
.Ltmp4:
0x94: {  	s9 =	sshll.u32 @!p0 s4, $0x6;
	s22 =	sshrl.u32 @!p0 s20, $0x3;
	(pc) =	sbr.rel @p1 .LBB2_10-.Ltmp4, $4  }
0x95: {  	s21 =	simm.s32 @!p0 $0x3;
	s9 =	sor.u32 @!p0 $0x1C03, s9  }
0x96: {  	[hbm:s18], [sflag:s9] =	dma.local @!p0 [spmem:s22], $0x80  }
0x97: {  	s18 =	sadd.s32 $0x80, s18;
	_ =	swait.ge @!p0 [sflag:s21], $0x80  }
0x98: {  	s20 =	sadd.s32 $0x400, s20;
	s22 =	sand.u32 $0xF, s0;
	[sflag:s21] =	ssyncset.done @!p0 $0x0  }
0x99: {  	p1 =	sne.s32 s22, s4  }
0x9a: {  	[sflag:s21] =	ssyncadd.s32 @!p0 $0xFFFFFF80;
	s0 =	sshll.u32 @!p1 s4, $0x6  }
0x9b: {  	s9 =	sshrl.u32 @!p1 s20, $0x3;
	s19 =	simm.s32 @!p1 $0x3;
	s0 =	sor.u32 @!p1 $0x1C03, s0  }
0x9c: {  	[hbm:s18], [sflag:s0] =	dma.local @!p1 [spmem:s9], $0x80  }
0x9d: {  	_ =	swait.ge @!p1 [sflag:s19], $0x80  }
0x9e: {  	s2 =	sadd.s32 $0x1, s2;
	s31 =	rddreg [dreg:$0x3]  }
0x9f: {  	p0 =	sne.s32 s2, s31  }
.Ltmp5:
0xa0: {  	_ = 	snop;
	(pc) =	sbr.rel @p0 .LBB2_1-.Ltmp5, $3  }
0xa1: {  	_ =	sdelay $0x1  }
0xa2: {  	[sflag:s19] =	ssyncset.done @!p1 $0x0  }
0xa3: {  	[sflag:s19] =	ssyncadd.s32 @!p1 $0xFFFFFF80  }
0xa4: {  	_ =	sfence.sel $0x180000  }
0xa5: {  	[bflag:$0x0] =	sbarrier.arrive $0xFFFF  }
0xa6: {  	_ =	strace $0x9000004A  }
0xa7: {  	[bflag:$0x2] =	sbarrier.arrive $0xFFFF  }
0xa8: {  	p0 =	sne.s32 s4, $0x0;
	s0 =	rddreg [dreg:$0x2]  }
0xa9: {  	s0 =	sadd.s32 @!p0 $0x100000, s0  }
0xaa: {  	[sflag:s0] =	ssyncadd.tile.s32 @!p0 $0x1;
	_ =	shalt  }
.Lfunc_end2:
_tile_overlayer_lowered:
.L_overlay_start_2:
0xab: {  	(tag) =	ssettag $0x2  }
0xac: {  	s0 =	rddreg [dreg:$0x0];
	s2 =	stileid.u32  }
0xad: {  	s1 =	rddreg [dreg:$0x1];
	p0 =	sne.s32 s2, $0x0  }
0xae: {  	s3 =	rddreg [dreg:$0x2];
	[bflag:$0x3] =	sbarrier.arrive $0xFFFF;
	s2 =	simm.s32 @!p0 $0x1C03  }
0xaf: {  	[timem:s3], [sflag:s2] =	dma.local @!p0 [hbm:s0], s1  }
0xb0: {  	s0 =	simm.s32 @!p0 $0x3  }
0xb1: {  	_ =	swait.ge @!p0 [sflag:s0], s1  }
0xb2: {  	s1 =	ssub.s32 @!p0 $0x0, s1;
	[sflag:s0] =	ssyncset.done @!p0 $0x0  }
0xb3: {  	[sflag:s0] =	ssyncadd.s32 @!p0 s1  }
0xb4: {  	[bflag:$0x3] =	sbarrier.arrive $0xFFFF  }
0xb5: {  	_ =	shalt  }

// kernel: kernel.7.cloned.1.call-start
scs
__scs_entry_jumppad:
0x0: {  	(pc) =	sbr.rel $0x88, $3  }
0x1: {  	(tag) =	ssettag $0x0;
	lr =	simm.s32 $0x1  }
0x2: {  	[smem:$0x3F97] =	sst lr;
	_ =	strace $0xD0000000  }
0x3: {  	_ = 	snop  }
0x4: {  	_ = 	snop  }
0x5: {  	_ = 	snop  }
0x6: {  	_ = 	snop  }
0x7: {  	_ = 	snop  }
__scs_overlays_trampoline_lowered:
0x8: {  	[smem:$0x3FA6] =	sst s0  }
0x9: {  	[smem:$0x3FA7] =	sst s1  }
0xa: {  	[smem:$0x3FA8] =	sst s2  }
0xb: {  	[smem:$0x3FA9] =	sst s3  }
0xc: {  	[smem:$0x3FAA] =	sst s4  }
0xd: {  	[smem:$0x3FAB] =	sst s5  }
0xe: {  	[smem:$0x3FAC] =	sst s6  }
0xf: {  	[smem:$0x3FAD] =	sst s7  }
0x10: {  	[smem:$0x3FAE] =	sst s8  }
0x11: {  	[smem:$0x3FAF] =	sst s9;
	s0 =	simm.s32 @!p0 $0x0  }
0x12: {  	s1 =	sld [smem:$0x3F95];
	s0 =	simm.s32 @p0 $0x1  }
0x13: {  	[smem:$0x3FB0] =	sst s0;
	s0 =	simm.s32 @!p1 $0x0  }
0x14: {  	s2 =	sld [smem:$0x3F94];
	s0 =	simm.s32 @p1 $0x1  }
0x15: {  	[smem:$0x3FB1] =	sst s0;
	s0 =	simm.s32 @!p2 $0x0  }
0x16: {  	s3 =	sld [smem:$0x3FDB];
	s0 =	simm.s32 @p2 $0x1  }
0x17: {  	s4 =	simm.s32 $0x1BF5;
	[smem:$0x3FB3] =	sst s0  }
0x18: {  	s0 =	sld [smem:$0x3F96];
	_ =	swait.ge [sflag:s4], $0x0  }
0x19: {  	s7 =	sld [smem:$0x3F97]  }
0x1a: {  	s8 =	sadd.s32 $0xFFFFE003, lr  }
0x1b: {  	s9 =	sadd.s32 $0xFFFFFEF7, lr;
	s5 =	simm.s32 $0xFFFFFFFF;
	p2 =	slt.u32 s8, $0xFFFFF086  }
0x1c: {  	p1 =	slt.u32 s9, $0xF7A;
	s5 =	simm.s32 @!p2 $0x0  }
0x1d: {  	s5 =	simm.s32 @p1 $0x1;
	p0 =	seq.s32 s7, s2  }
0x1e: {  	s7 =	smul.u32 @!p0 $0xF7A, s2;
	p2 =	seq.s32 @!p0 s5, $0x0  }
0x1f: {  	s9 =	smul.u32 $0xF7A, s1;
	s8 =	simm.s32 @!p0 $0x1BF5;
	p2 =	por !p2, p0  }
0x20: {  	[sflag:s8] =	ssyncset.s32 @!p0 $0xFFFFF086;
	s6 =	sadd.s32 @!p0 s3, s7;
	s7 =	simm.s32 @!p0 $0x108  }
0x21: {  	s3 =	sadd.s32 s3, s9;
	s6 =	sadd.s32 @!p0 $0x88, s6;
	s7 =	simm.s32 @p2 $0x1082  }
0x22: {  	[simem:s7], [sflag:s8] =	dma.local @!p0 [hbm:s6], $0xF7A  }
0x23: {  	s9 =	sor.u32 $0xD0000000, s2;
	s6 =	simm.s32 $0x108;
	_ =	swait.ge @!p0 [sflag:s8], $0x0  }
0x24: {  	s3 =	sadd.s32 $0x88, s3;
	s6 =	simm.s32 @!p1 $0x1082;
	[sflag:s4] =	ssyncset.s32 $0xFFFFF086  }
0x25: {  	[simem:s6], [sflag:s4] =	dma.local [hbm:s3], $0xF7A  }
0x26: {  	[smem:$0x3F97] =	sst s1;
	(tag) =	ssettag s2;
	_ =	strace s9  }
0x27: {  	s1 =	sld [smem:$0x3FA7]  }
0x28: {  	s2 =	sld [smem:$0x3FA8]  }
0x29: {  	s4 =	sld [smem:$0x3FAA]  }
0x2a: {  	p0 =	seq.s32 s5, $0x0;
	s5 =	sld [smem:$0x3FAB]  }
0x2b: {  	s6 =	sld [smem:$0x3FAC]  }
0x2c: {  	s7 =	sld [smem:$0x3FAD]  }
0x2d: {  	s3 =	simm.s32 $0x108;
	s8 =	sld [smem:$0x3FAE]  }
0x2e: {  	s3 =	simm.s32 @!p0 $0x1082;
	s9 =	sld [smem:$0x3FAF]  }
0x2f: {  	lr =	sadd.s32 s0, s3;
	s0 =	sld [smem:$0x3FA6]  }
0x30: {  	s3 =	sld [smem:$0x3FA9]  }
0x31: {  	[smem:$0x3FB2] =	sst s10  }
0x32: {  	s10 =	sld [smem:$0x3FB0];
	_ =	sdelay $0x3  }
0x33: {  	p0 =	seq.s32 s10, $0x1;
	s10 =	sld [smem:$0x3FB2];
	_ =	sdelay $0x3  }
0x34: {  	[smem:$0x3FB2] =	sst s10  }
0x35: {  	s10 =	sld [smem:$0x3FB1];
	_ =	sdelay $0x3  }
0x36: {  	p1 =	seq.s32 s10, $0x1;
	s10 =	sld [smem:$0x3FB2];
	_ =	sdelay $0x3  }
0x37: {  	[smem:$0x3FB2] =	sst s10  }
0x38: {  	s10 =	sld [smem:$0x3FB3]  }
0x39: {  	_ = 	snop;
	(pc) =	sbr.ind lr, $3  }
0x3a: {  	_ = 	snop  }
0x3b: {  	_ = 	snop  }
0x3c: {  	p2 =	seq.s32 s10, $0x1;
	s10 =	sld [smem:$0x3FB2]  }
0x3d: {  	_ =	shalt  }
0x3e: {  	_ =	shalt  }
0x3f: {  	_ =	shalt  }
0x40: {  	_ =	shalt  }
0x41: {  	_ =	shalt  }
0x42: {  	_ =	shalt  }
0x43: {  	_ =	shalt  }
0x44: {  	_ =	shalt  }
0x45: {  	_ =	shalt  }
0x46: {  	_ =	shalt  }
0x47: {  	_ =	shalt  }
0x48: {  	_ =	shalt  }
0x49: {  	_ =	shalt  }
0x4a: {  	_ =	shalt  }
0x4b: {  	_ =	shalt  }
0x4c: {  	_ =	shalt  }
0x4d: {  	_ =	shalt  }
0x4e: {  	_ =	shalt  }
0x4f: {  	_ =	shalt  }
0x50: {  	_ =	shalt  }
0x51: {  	_ =	shalt  }
0x52: {  	_ =	shalt  }
0x53: {  	_ =	shalt  }
0x54: {  	_ =	shalt  }
0x55: {  	_ =	shalt  }
0x56: {  	_ =	shalt  }
0x57: {  	_ =	shalt  }
0x58: {  	_ =	shalt  }
0x59: {  	_ =	shalt  }
0x5a: {  	_ =	shalt  }
0x5b: {  	_ =	shalt  }
0x5c: {  	_ =	shalt  }
0x5d: {  	_ =	shalt  }
0x5e: {  	_ =	shalt  }
0x5f: {  	_ =	shalt  }
0x60: {  	_ =	shalt  }
0x61: {  	_ =	shalt  }
0x62: {  	_ =	shalt  }
0x63: {  	_ =	shalt  }
0x64: {  	_ =	shalt  }
0x65: {  	_ =	shalt  }
0x66: {  	_ =	shalt  }
0x67: {  	_ =	shalt  }
0x68: {  	_ =	shalt  }
0x69: {  	_ =	shalt  }
0x6a: {  	_ =	shalt  }
0x6b: {  	_ =	shalt  }
0x6c: {  	_ =	shalt  }
0x6d: {  	_ =	shalt  }
0x6e: {  	_ =	shalt  }
0x6f: {  	_ =	shalt  }
0x70: {  	_ =	shalt  }
0x71: {  	_ =	shalt  }
0x72: {  	_ =	shalt  }
0x73: {  	_ =	shalt  }
0x74: {  	_ =	shalt  }
0x75: {  	_ =	shalt  }
0x76: {  	_ =	shalt  }
0x77: {  	_ =	shalt  }
0x78: {  	_ =	shalt  }
0x79: {  	_ =	shalt  }
0x7a: {  	_ =	shalt  }
0x7b: {  	_ =	shalt  }
0x7c: {  	_ =	shalt  }
0x7d: {  	_ =	shalt  }
0x7e: {  	_ =	shalt  }
0x7f: {  	_ =	shalt  }
0x80: {  	_ =	shalt  }
0x81: {  	_ =	shalt  }
0x82: {  	_ =	shalt  }
0x83: {  	_ =	shalt  }
0x84: {  	_ =	shalt  }
0x85: {  	_ =	shalt  }
0x86: {  	_ =	shalt  }
0x87: {  	_ =	shalt  }
.Lfunc_end0:
.L_simem_size_0:
called_computation_lowered:
.L_overlay_start_0:
0x88: {  	s2 =	sld [smem:$0x3FD9]  }
0x89: {  	s3 =	sld [smem:$0x3FFE];
	_ =	sdelay $0x1  }
0x8a: {  	s1 =	srdreg.scid  }
0x8b: {  	s0 =	sand.u32 $0x1, s1  }
0x8c: {  	s16 =	sshll.u32 s0, $0xA;
	s2 =	sadd.s32 s3, s2  }
0x8d: {  	s2 =	sadd.s32 s2, s16  }
0x8e: {  	[smem:$0x3FBE] =	sst s2  }
0x8f: {  	_ = 	snop  }
0x90: {  	(tm) =	ssettm $0x1  }
0x91: {  	s17 =	sld [smem:$0x3FFB];
	_ =	sdelay $0x3  }
0x92: {  	_ =	strace s17  }
0x93: {  	s2 =	sld [smem:$0x3FFC];
	_ =	sdelay $0x3  }
0x94: {  	_ =	strace s2  }
0x95: {  	s2 =	sld [smem:$0x3FFD];
	_ =	sdelay $0x3  }
0x96: {  	_ =	strace s2  }
0x97: {  	_ =	strace $0x8FFFFFFF  }
0x98: {  	s18 =	sld [smem:$0x3FDB];
	_ =	sdelay $0x1  }
0x99: {  	s19 =	simm.s32 $_scs_section_size  }
0x9a: {  	s4 =	simm.s32 $_size__tile_overlayer_lowered;
	s5 =	simm.s32 $_tile_overlayer_lowered  }
0x9b: {  	s22 =	simm.s32 $0x1BFF;
	s21 =	sshll.u32 s5, $0x1;
	s2 =	sadd.s32 s19, s18  }
0x9c: {  	s6 =	simm.s32 $0x0;
	s20 =	sshll.u32 s4, $0x1;
	s4 =	sadd.s32 s21, s2  }
0x9d: {  	[timem:s6], [sflag:s22] =	dma.local [hbm:s4], s20  }
0x9e: {  	_ =	swait.ge [sflag:s22], s20  }
0x9f: {  	s3 =	ssub.s32 $0x0, s20;
	[sflag:s22] =	ssyncset.done $0x0  }
0xa0: {  	[sflag:s22] =	ssyncadd.s32 s3;
	_ =	sdelay $0x1  }
0xa1: {  	s23 =	simm.s32 $0x1B8B  }
0xa2: {  	_ =	swait.ge [sflag:s23], $0x1  }
0xa3: {  	[sflag:s23] =	ssyncset.done $0x0  }
0xa4: {  	s25 =	simm.s32 $0x1B8E;
	s24 =	sld [smem:$0x3FFE];
	[sflag:s23] =	ssyncadd.s32 $0xFFFFFFFF  }
0xa5: {  	s26 =	simm.s32 $execute0_lowered;
	[smem:$0x3FD2] =	sst s25  }
0xa6: {  	s4 =	sshll.u32 s26, $0x1;
	_ =	strace $0x80000046;
	[dreg:$0x1] =	wrdreg $0xFFFFFFFF  }
0xa7: {  	s28 =	simm.s32 $_size_execute0_lowered;
	s2 =	sadd.s32 s2, s4;
	[dreg:$0x0] =	wrdreg $0x0  }
0xa8: {  	s4 =	sshll.u32 s28, $0x1;
	[dreg:$0x2] =	wrdreg s2  }
0xa9: {  	[dreg:$0x3] =	wrdreg s4  }
0xaa: {  	[dreg:$0x4] =	wrdreg $0xC0  }
0xab: {  	_ =	task [dreg:s6], $0x5FFFF  }
0xac: {  	[dreg:$0x1] =	wrdreg $0xFFFFFFFF  }
0xad: {  	[dreg:$0x0] =	wrdreg $0x60  }
0xae: {  	[dreg:$0x2] =	wrdreg s24  }
0xaf: {  	[dreg:$0x3] =	wrdreg $0x70800  }
0xb0: {  	[dreg:$0x4] =	wrdreg $0x9  }
0xb1: {  	_ =	task.clear_ibuf [dreg:s6], $0x5FFFF;
	_ =	strace $0x90000046  }
0xb2: {  	s29 =	simm.s32 $0x9;
	_ =	strace $0x80000048  }
0xb3: {  	_ =	swait.ge [sflag:s29], $0x1  }
0xb4: {  	[sflag:s29] =	ssyncadd.s32 $0xFFFFFFFF  }
0xb5: {  	_ =	strace $0x90000048  }
0xb6: {  	_ =	sfence  }
0xb7: {  	s30 =	sld [smem:$0x0];
	_ =	sdelay $0x2  }
0xb8: {  	s31 =	sshll.u32 s1, $0xD;
	s1 =	sshrl.u32 s1, $0x2  }
0xb9: {  	s3 =	sand.u32 $0x4000, s31;
	s1 =	sadd.s32 s1, s30  }
0xba: {  	s0 =	sor.u32 s3, s0;
	s1 =	sshll.u32 s1, $0x11  }
0xbb: {  	s0 =	sor.u32 s1, s0  }
0xbc: {  	s0 =	sadd.s32 $0x8F2B, s0  }
0xbd: {  	[sflag:s0] =	ssyncadd.remote.s32 $0x1  }
0xbe: {  	_ =	sfence.sel $0xFFFF  }
0xbf: {  	[dreg:$0x0] =	wrdreg $0xFFFFFFFF;
	(pc) =	sbr.abs _section_cstart, $3  }
0xc0: {  	[dreg:$0x1] =	wrdreg $0xFFFFFFFF  }
0xc1: {  	_ =	task.clear_ibuf [dreg:s6], $0x2FFFF;
	_ =	strace $0x9FFFFFFF  }
0xc2: {  	(tm) =	ssettm $0x7FFFFFFF  }
0xc3: {  	_ =	shalt  }
tec
execute0_lowered:
.L_overlay_start_1:
0x0: {  	(tag) =	ssettag $0x1  }
0x1: {  	s8 =	rddreg [dreg:$0x0]  }
0x2: {  	s1 =	rddreg [dreg:$0x1]  }
0x3: {  	s0 =	rddreg [dreg:$0x2];
	s2 =	simm.s32 $0x0;
	s6 =	srdreg.scid  }
0x4: {  	s13 =	simm.s32 $0x80;
	s14 =	simm.s32 $0x1;
	s15 =	simm.s32 $0x2  }
0x5: {  	s16 =	simm.s32 $0x2880;
	[smem:$0x7FF] =	sst s2;
	s3 =	sadd.s32 $0x1A00, s8  }
0x6: {  	s4 =	sadd.s32 $0x2E200, s8;
	s5 =	sadd.s32 $0x3D400, s8;
	s9 =	sand.u32 $0x1, s6  }
0x7: {  	s7 =	sadd.s32 $0x33200, s8;
	s6 =	stileid.u32;
	s10 =	smul.u32 $0x2C700, s9  }
0x8: {  	_ =	strace $0x80000047;
	s11 =	ssub.s32 $0x2, s9;
	s9 =	sshll.u32 s9, $0x4  }
0x9: {  	s12 =	sshrl.u32 s11, $0x1;
	s31 =	sor.u32 s6, s9;
	s10 =	sadd.s32 s10, s8  }
0xa: {  	v0 =	vimm.f32 $0.0e+00;
	vm0 =	vcmask $0x1F00;
	s11 =	ssub.s32 s11, s12;
	s8 =	smul.u32 $0xA2, s31;
	s12 =	simm.s32 $0x40  }
0xb: {  	v1 =	vsel vm0, $0x3F800000, v0;
	s9 =	smax.u32 s11, $0x1;
	s10 =	sadd.s32 $0x47600, s10;
	s11 =	simm.s32 $0x3  }
.LBB2_1:
0xc: {  	s17 =	simm.s32 $0x0;
	s18 =	simm.s32 $0x240  }
.LBB2_2:
0xd: {  	p0 =	sne.s32 s18, $0x8DC0;
	[tilespmem:s17+$0x2900] =	vst v0  }
0xe: {  	[tilespmem:s17+$0x4C80] =	vst v0  }
0xf: {  	[tilespmem:s17+$0x2880] =	vst v0  }
0x10: {  	[tilespmem:s17+$0x4C90] =	vst v0  }
0x11: {  	[tilespmem:s17+$0x2890] =	vst v0  }
0x12: {  	[tilespmem:s17+$0x4CA0] =	vst v0  }
0x13: {  	[tilespmem:s17+$0x28A0] =	vst v0  }
0x14: {  	[tilespmem:s17+$0x4CB0] =	vst v0  }
0x15: {  	[tilespmem:s17+$0x28B0] =	vst v0  }
0x16: {  	[tilespmem:s17+$0x4CC0] =	vst v0  }
0x17: {  	[tilespmem:s17+$0x28C0] =	vst v0  }
0x18: {  	[tilespmem:s17+$0x4CD0] =	vst v0  }
0x19: {  	[tilespmem:s17+$0x28D0] =	vst v0  }
.Ltmp0:
0x1a: {  	[tilespmem:s17+$0x4CE0] =	vst v0;
	(pc) =	sbr.rel @p0 .LBB2_2-.Ltmp0, $4  }
0x1b: {  	[tilespmem:s17+$0x28E0] =	vst v0  }
0x1c: {  	[tilespmem:s17+$0x4CF0] =	vst v0  }
0x1d: {  	[tilespmem:s17+$0x28F0] =	vst v0  }
0x1e: {  	[tilespmem:s17+$0x4D00] =	vst v0;
	s17 =	sshra.s32 s18, $0x2;
	s18 =	sadd.s32 $0x240, s18  }
0x1f: {  	[tilespmem:s17+$0x2900] =	vst v0  }
0x20: {  	[tilespmem:s17+$0x4C80] =	vst v0  }
0x21: {  	[tilespmem:s17+$0x2880] =	vst v0  }
0x22: {  	[tilespmem:s17+$0x4C90] =	vst v0  }
0x23: {  	[tilespmem:s17+$0x2890] =	vst v0  }
0x24: {  	[tilespmem:s17+$0x4CA0] =	vst v0  }
0x25: {  	[tilespmem:s17+$0x28A0] =	vst v0  }
0x26: {  	[tilespmem:s17+$0x4CB0] =	vst v0  }
0x27: {  	[tilespmem:s17+$0x28B0] =	vst v0  }
0x28: {  	[tilespmem:s17+$0x4CC0] =	vst v0  }
0x29: {  	[tilespmem:s17+$0x28C0] =	vst v0  }
0x2a: {  	[tilespmem:s17+$0x4CD0] =	vst v0  }
0x2b: {  	[tilespmem:s17+$0x28D0] =	vst v0  }
0x2c: {  	[tilespmem:s17+$0x4CE0] =	vst v0  }
0x2d: {  	[tilespmem:s17+$0x28E0] =	vst v0;
	s18 =	simm.s32 $0x0  }
0x2e: {  	[tilespmem:s17+$0x4CF0] =	vst v0;
	s18 =	sand.u32 $0xF, s18  }
0x2f: {  	[tilespmem:s17+$0x28F0] =	vst v0;
	p0 =	sne.s32 s18, s6  }
0x30: {  	[tilespmem:s17+$0x4D00] =	vst v0;
	s17 =	simm.s32 @!p0 $0x4C80;
	s20 =	simm.s32 @!p0 $0x3  }
0x31: {  	[spmem:s1] =	stream.linear.scatter @!p0 [tilespmem:s17], [sflag:$0x3], $0x2400, $0x38;
	[tilespmem:$0x1D400] =	vst v63  }
0x32: {  	s19 =	simm.s32 $0x2;
	_ =	swait.ge @!p0 [sflag:s20], $0x2400  }
0x33: {  	s18 =	simm.s32 $0x1;
	s17 =	sadd.s32 $0x2400, s1;
	[sflag:s20] =	ssyncset.done @!p0 $0x0  }
.LBB2_4:
0x34: {  	s21 =	sand.u32 $0xF, s18;
	s18 =	smov.u32 s19;
	s19 =	sadd.s32 $0x1, s19  }
0x35: {  	[sflag:s20] =	ssyncadd.s32 @!p0 $0xFFFFDC00;
	p1 =	sne.s32 s19, $0x9E  }
.Ltmp1:
0x36: {  	p0 =	sne.s32 s21, s6;
	(pc) =	sbr.rel @p1 .LBB2_4-.Ltmp1, $4  }
0x37: {  	s21 =	simm.s32 @!p0 $0x4C80;
	s20 =	simm.s32 @!p0 $0x3  }
0x38: {  	[spmem:s17] =	stream.linear.scatter @!p0 [tilespmem:s21], [sflag:$0x3], $0x2400, $0x38;
	[tilespmem:$0x1D400] =	vst v63  }
0x39: {  	_ =	swait.ge @!p0 [sflag:s20], $0x2400  }
0x3a: {  	s17 =	sadd.s32 $0x2400, s17;
	[sflag:s20] =	ssyncset.done @!p0 $0x0  }
0x3b: {  	s18 =	sand.u32 $0xF, s18  }
0x3c: {  	p1 =	sne.s32 s18, s6  }
0x3d: {  	[sflag:s20] =	ssyncadd.s32 @!p0 $0xFFFFDC00;
	s18 =	simm.s32 @!p1 $0x4C80;
	s19 =	simm.s32 @!p1 $0x3  }
0x3e: {  	[spmem:s17] =	stream.linear.scatter @!p1 [tilespmem:s18], [sflag:$0x3], $0x2400, $0x38;
	[tilespmem:$0x1D400] =	vst v63  }
0x3f: {  	_ =	swait.ge @!p1 [sflag:s19], $0x2400  }
0x40: {  	[sflag:s19] =	ssyncset.done @!p1 $0x0  }
0x41: {  	[sflag:s19] =	ssyncadd.s32 @!p1 $0xFFFFDC00  }
0x42: {  	s17 =	simm.s32 $0x0;
	s18 =	simm.s32 $0x0;
	[bflag:$0x0] =	sbarrier.arrive $0xFFFF  }
.LBB2_6:
0x43: {  	s19 =	sadd.s32 s8, s18  }
0x44: {  	s19 =	sshll.u32 s19, $0x3  }
0x45: {  	s20 =	sadd.s32 s5, s19  }
0x46: {  	[tilespmem:s17], [sflag:$0x3] =	stream.linear.gather [hbm4b:s20+s17], $0x40, $0x38;
	[tilespmem:$0x1D400] =	vst v63  }
0x47: {  	_ =	swait.ge [sflag:s11], $0x40  }
0x48: {  	[sflag:s11] =	ssyncset.done $0x0  }
0x49: {  	s19 =	sadd.s32 s7, s19;
	[sflag:s11] =	ssyncadd.s32 $0xFFFFFFC0  }
0x4a: {  	[tilespmem:s12], [sflag:$0x3] =	stream.linear.gather [hbm4b:s19+s17], $0x40, $0x38;
	[tilespmem:$0x1D400] =	vst v63  }
0x4b: {  	_ =	swait.ge [sflag:s11], $0x40  }
0x4c: {  	[sflag:s11] =	ssyncset.done $0x0  }
0x4d: {  	[sflag:s11] =	ssyncadd.s32 $0xFFFFFFC0  }
0x4e: {  	[tilespmem:s13], [sflag:$0x1] =	stream.indirect.gather [hbm4b:s3+s12], $0x90, s17, s12, $0xb8;
	[tilespmem:$0x1D400] =	vst v63  }
0x4f: {  	s20 =	simm.s32 $0x2480  }
0x50: {  	[tilespmem:s20], [sflag:$0x2] =	stream.indirect.gather [hbm4b:s4+s12], $0x10, s12, s12, $0xb8;
	[tilespmem:$0x1D400] =	vst v63  }
0x51: {  	_ =	swait.ge [sflag:s14], $0x2400  }
0x52: {  	[sflag:s14] =	ssyncset.done $0x0  }
0x53: {  	[sflag:s14] =	ssyncadd.s32 $0xFFFFDC00  }
0x54: {  	_ =	swait.ge [sflag:s15], $0x400  }
0x55: {  	[sflag:s15] =	ssyncset.done $0x0  }
0x56: {  	s19 =	simm.s32 $0x0;
	[sflag:s15] =	ssyncadd.s32 $0xFFFFFC00  }
0x57: {  	s21 =	simm.s32 $0x240;
	v2 =	vld [tilespmem:s19+$0x100]  }
.LBB2_7:
0x58: {  	p0 =	sne.s32 s21, $0x8DC0;
	v3 =	vld [tilespmem:s20+$0x0];
	_ =	sdelay $0x4  }
0x59: {  	v2 =	vadd.f32 v3, v2;
	_ =	sdelay $0x1  }
0x5a: {  	v3 =	vmul.f32 $2.000000030e-01, v2;
	_ =	sdelay $0x1  }
0x5b: {  	v2 =	vmax.f32 v2, v3  }
0x5c: {  	v2 =	vmul.f32 $1.442695020e+00, v2;
	_ =	sdelay $0x1  }
0x5d: {  	(erf) = vpow2.f32 v2;
	_ =	sdelay $0x6  }
0x5e: {  	v2 =	vld [tilespmem:s19+$0x80]  }
0x5f: {  	v3 =	vld [tilespmem:s19+$0x90]  }
0x60: {  	v4 =	vld [tilespmem:s19+$0xA0];
	v5 =	vpop (erf)  }
0x61: {  	v5 =	vmul.f32 v1, v5;
	v6 =	vld [tilespmem:s19+$0xB0]  }
0x62: {  	v7 =	vld [tilespmem:s19+$0xC0]  }
0x63: {  	[tilespmem:s19+$0x2900] =	vst v5;
	v8 =	vbroadcast v5, $0x0;
	v9 =	vbroadcast v5, $0x1;
	v10 =	vld [tilespmem:s19+$0xD0]  }
0x64: {  	v11 =	vbroadcast v5, $0x2;
	v12 =	vbroadcast v5, $0x3;
	v13 =	vld [tilespmem:s19+$0xE0]  }
0x65: {  	v2 =	vmul.f32 v8, v2;
	v3 =	vmul.f32 v9, v3;
	v8 =	vld [tilespmem:s19+$0xF0]  }
0x66: {  	v4 =	vmul.f32 v11, v4;
	v6 =	vmul.f32 v6, v12  }
0x67: {  	v9 =	vbroadcast v5, $0x5;
	[tilespmem:s19+$0x2880] =	vst v2;
	v2 =	vbroadcast v5, $0x4  }
0x68: {  	[tilespmem:s19+$0x2890] =	vst v3;
	v3 =	vbroadcast v5, $0x6;
	v5 =	vbroadcast v5, $0x7  }
0x69: {  	[tilespmem:s19+$0x28A0] =	vst v4;
	v2 =	vmul.f32 v7, v2;
	v4 =	vmul.f32 v10, v9  }
.Ltmp2:
0x6a: {  	[tilespmem:s19+$0x28B0] =	vst v6;
	v3 =	vmul.f32 v13, v3;
	v5 =	vmul.f32 v8, v5;
	(pc) =	sbr.rel @p0 .LBB2_7-.Ltmp2, $4  }
0x6b: {  	[tilespmem:s19+$0x28C0] =	vst v2  }
0x6c: {  	[tilespmem:s19+$0x28D0] =	vst v4  }
0x6d: {  	s22 =	sshra.s32 s21, $0x2;
	[tilespmem:s19+$0x28E0] =	vst v3  }
0x6e: {  	s21 =	sadd.s32 $0x240, s21;
	s20 =	sadd.s32 $0x10, s20;
	v2 =	vld [tilespmem:s22+$0x100];
	[tilespmem:s19+$0x28F0] =	vst v5;
	s19 =	smov.u32 s22  }
0x6f: {  	v3 =	vld [tilespmem:s20+$0x0];
	_ =	sdelay $0x4  }
0x70: {  	v2 =	vadd.f32 v3, v2;
	_ =	sdelay $0x1  }
0x71: {  	v3 =	vmul.f32 $2.000000030e-01, v2;
	_ =	sdelay $0x1  }
0x72: {  	v2 =	vmax.f32 v2, v3  }
0x73: {  	v2 =	vmul.f32 $1.442695020e+00, v2;
	_ =	sdelay $0x1  }
0x74: {  	(erf) = vpow2.f32 v2;
	_ =	sdelay $0x8  }
0x75: {  	v2 =	vld [tilespmem:s19+$0x80];
	v5 =	vpop (erf)  }
0x76: {  	v3 =	vld [tilespmem:s19+$0x90];
	v5 =	vmul.f32 v1, v5  }
0x77: {  	v4 =	vld [tilespmem:s19+$0xA0]  }
0x78: {  	v6 =	vld [tilespmem:s19+$0xB0];
	v8 =	vbroadcast v5, $0x0  }
0x79: {  	v10 =	vld [tilespmem:s19+$0xD0];
	v9 =	vbroadcast v5, $0x1  }
0x7a: {  	v7 =	vld [tilespmem:s19+$0xC0];
	v11 =	vbroadcast v5, $0x2;
	v2 =	vmul.f32 v8, v2  }
0x7b: {  	v12 =	vld [tilespmem:s19+$0xE0];
	[tilespmem:s19+$0x2900] =	vst v5;
	v59 =	vbroadcast v5, $0x3;
	v3 =	vmul.f32 v9, v3  }
0x7c: {  	v60 =	vld [tilespmem:s19+$0xF0];
	v61 =	vbroadcast v5, $0x5;
	v4 =	vmul.f32 v11, v4;
	[tilespmem:s19+$0x2880] =	vst v2  }
0x7d: {  	v6 =	vmul.f32 v6, v59;
	v2 =	vbroadcast v5, $0x4;
	[tilespmem:s19+$0x2890] =	vst v3  }
0x7e: {  	v63 =	vmul.f32 v10, v61;
	v3 =	vbroadcast v5, $0x6;
	[tilespmem:s19+$0x28A0] =	vst v4  }
0x7f: {  	v62 =	vbroadcast v5, $0x7;
	[tilespmem:s19+$0x28B0] =	vst v6;
	v2 =	vmul.f32 v7, v2  }
0x80: {  	[tilespmem:s19+$0x28D0] =	vst v63;
	v3 =	vmul.f32 v12, v3  }
0x81: {  	s18 =	sadd.s32 $0x1, s18;
	[tilespmem:s19+$0x28C0] =	vst v2;
	v2 =	vmul.f32 v60, v62  }
0x82: {  	p0 =	sne.s32 s18, $0xA2;
	[tilespmem:s19+$0x28E0] =	vst v3  }
.Ltmp3:
0x83: {  	[tilespmem:s19+$0x28F0] =	vst v2;
	(pc) =	sbr.rel @p0 .LBB2_6-.Ltmp3, $4  }
0x84: {  	[spmem:s1] =	stream.indirect.scatter.add.f32 [tilespmem:s16], [sflag:$0x3], $0x90, s12, s12, $0xb8;
	[tilespmem:$0x1D400] =	vst v63  }
0x85: {  	_ =	swait.ge [sflag:s11], $0x2400  }
0x86: {  	[sflag:s11] =	ssyncset.done $0x0  }
0x87: {  	[sflag:s11] =	ssyncadd.s32 $0xFFFFDC00  }
0x88: {  	s17 =	simm.s32 $0x0  }
0x89: {  	s17 =	sand.u32 $0xF, s17  }
0x8a: {  	p0 =	sne.s32 s17, s6  }
0x8b: {  	[bflag:$0x0] =	sbarrier.arrive $0xFFFF;
	s18 =	simm.s32 $0x1;
	s17 =	sshll.u32 @!p0 s6, $0x6  }
0x8c: {  	s19 =	sshrl.u32 @!p0 s1, $0x3;
	s20 =	simm.s32 @!p0 $0x3;
	s17 =	sor.u32 @!p0 $0x1C03, s17  }
0x8d: {  	[hbm:s10], [sflag:s17] =	dma.local @!p0 [spmem:s19], $0x480  }
0x8e: {  	s21 =	sand.u32 $0xF, s18;
	s18 =	sadd.s32 $0x480, s10;
	_ =	swait.ge @!p0 [sflag:s20], $0x480  }
0x8f: {  	s19 =	simm.s32 $0x2;
	s17 =	sadd.s32 $0x2400, s1;
	[sflag:s20] =	ssyncset.done @!p0 $0x0  }
.LBB2_10:
0x90: {  	[sflag:s20] =	ssyncadd.s32 @!p0 $0xFFFFFB80  }
0x91: {  	p0 =	sne.s32 s21, s6;
	s21 =	smov.u32 s19;
	s19 =	sadd.s32 $0x1, s19  }
0x92: {  	p1 =	sne.s32 s19, $0x9E  }
.Ltmp4:
0x93: {  	s20 =	sshll.u32 @!p0 s6, $0x6;
	s22 =	sshrl.u32 @!p0 s17, $0x3;
	(pc) =	sbr.rel @p1 .LBB2_10-.Ltmp4, $4  }
0x94: {  	s23 =	sor.u32 @!p0 $0x1C03, s20;
	s20 =	simm.s32 @!p0 $0x3  }
0x95: {  	[hbm:s18], [sflag:s23] =	dma.local @!p0 [spmem:s22], $0x480  }
0x96: {  	s17 =	sadd.s32 $0x2400, s17;
	_ =	swait.ge @!p0 [sflag:s20], $0x480  }
0x97: {  	s21 =	sand.u32 $0xF, s21;
	s18 =	sadd.s32 $0x480, s18;
	[sflag:s20] =	ssyncset.done @!p0 $0x0  }
0x98: {  	p1 =	sne.s32 s21, s6;
	[sflag:s20] =	ssyncadd.s32 @!p0 $0xFFFFFB80;
	s2 =	sadd.s32 $0x1, s2  }
0x99: {  	s19 =	sshll.u32 @!p1 s6, $0x6;
	s17 =	sshrl.u32 @!p1 s17, $0x3;
	p0 =	sne.s32 s2, s9  }
.Ltmp5:
0x9a: {  	s20 =	simm.s32 @!p1 $0x3;
	s19 =	sor.u32 @!p1 $0x1C03, s19;
	(pc) =	sbr.rel @p0 .LBB2_1-.Ltmp5, $4  }
0x9b: {  	[hbm:s18], [sflag:s19] =	dma.local @!p1 [spmem:s17], $0x480  }
0x9c: {  	_ =	swait.ge @!p1 [sflag:s20], $0x480  }
0x9d: {  	[sflag:s20] =	ssyncset.done @!p1 $0x0  }
0x9e: {  	[sflag:s20] =	ssyncadd.s32 @!p1 $0xFFFFFB80  }
0x9f: {  	_ =	sfence.sel $0x180000  }
0xa0: {  	[bflag:$0x0] =	sbarrier.arrive $0xFFFF  }
0xa1: {  	p0 =	sne.s32 s6, $0x0;
	_ =	strace $0x90000047  }
0xa2: {  	s0 =	sadd.s32 @!p0 $0x100000, s0;
	[bflag:$0x2] =	sbarrier.arrive $0xFFFF  }
0xa3: {  	[sflag:s0] =	ssyncadd.tile.s32 @!p0 $0x1;
	_ =	shalt  }
.Lfunc_end2:
_tile_overlayer_lowered:
.L_overlay_start_2:
0xa4: {  	(tag) =	ssettag $0x2  }
0xa5: {  	s0 =	rddreg [dreg:$0x0];
	s2 =	stileid.u32  }
0xa6: {  	s1 =	rddreg [dreg:$0x1];
	p0 =	sne.s32 s2, $0x0  }
0xa7: {  	s3 =	rddreg [dreg:$0x2];
	[bflag:$0x3] =	sbarrier.arrive $0xFFFF;
	s2 =	simm.s32 @!p0 $0x1C03  }
0xa8: {  	[timem:s3], [sflag:s2] =	dma.local @!p0 [hbm:s0], s1  }
0xa9: {  	s0 =	simm.s32 @!p0 $0x3  }
0xaa: {  	_ =	swait.ge @!p0 [sflag:s0], s1  }
0xab: {  	s1 =	ssub.s32 @!p0 $0x0, s1;
	[sflag:s0] =	ssyncset.done @!p0 $0x0  }
0xac: {  	[sflag:s0] =	ssyncadd.s32 @!p0 s1  }
0xad: {  	[bflag:$0x3] =	sbarrier.arrive $0xFFFF  }
0xae: {  	_ =	shalt  }

</sc_bundles>
